<compile_context>
chip_gen: v7x
topology: tpu7x:2x2x1
jax: 0.10.2.dev20260603
libtpu: 0.0.44.dev20260713+nightly
codegen_flags: <defaults>
</compile_context>

<pallas_src>
import functools
import math

import jax
import jax.numpy as jnp
from jax import lax
from jax.experimental import pallas as pl
from jax.experimental.pallas import tpu as pltpu, tpu_sc as plsc

_B, _H, _W, _C, _N = 16, 32, 32, 80, 32
_T = _B * _N
_G = _B * _H * _W
_HW = _H * _W
_PI2 = math.pi ** 2



def _vperm(v, idx):
    return jnp.take_along_axis(v, idx, axis=0, mode="promise_in_bounds")


def _sc_dedup(tbT, labs):
    info = plsc.get_sparse_core_info()
    nc, ns, L = info.num_cores, info.num_subcores, info.num_lanes
    nw = nc * ns
    tpw = _T // nw
    mesh = plsc.VectorSubcoreMesh(core_axis_name="c", subcore_axis_name="s")

    @functools.partial(
        pl.kernel,
        mesh=mesh,
        compiler_params=pltpu.CompilerParams(use_tc_tiling_on_sc=False),
        out_type=jax.ShapeDtypeStruct((_B, 8, 128), jnp.float32),
        scratch_types=[
            pltpu.VMEM((tpw,), jnp.float32),
            pltpu.VMEM((tpw,), jnp.float32),
            pltpu.VMEM((tpw,), jnp.float32),
            pltpu.VMEM((tpw,), jnp.float32),
            pltpu.VMEM((tpw,), jnp.float32),
            pltpu.VMEM((tpw,), jnp.float32),
            pltpu.VMEM((tpw,), jnp.int32),
            pltpu.VMEM((tpw,), jnp.int32),
            pltpu.VMEM((8 * tpw,), jnp.float32),
            pltpu.SemaphoreType.DMA,
            pltpu.SemaphoreType.DMA,
        ],
    )
    def sc(tbT_hbm, labs_hbm, out_hbm,
           xa_v, xb_v, ya_v, yb_v, w_v, h_v, la_v, lb_v, pk_v, sin, sout):
        wid = lax.axis_index("s") * nc + lax.axis_index("c")
        base = wid * tpw
        img = wid // 2
        par = wid - img * 2
        ibase = img * _N
        copies = [
            pltpu.async_copy(tbT_hbm.at[0, pl.ds(ibase, tpw)], xa_v, sin),
            pltpu.async_copy(tbT_hbm.at[0, pl.ds(ibase + tpw, tpw)], xb_v,
                             sin),
            pltpu.async_copy(tbT_hbm.at[1, pl.ds(ibase, tpw)], ya_v, sin),
            pltpu.async_copy(tbT_hbm.at[1, pl.ds(ibase + tpw, tpw)], yb_v,
                             sin),
            pltpu.async_copy(tbT_hbm.at[2, pl.ds(base, tpw)], w_v, sin),
            pltpu.async_copy(tbT_hbm.at[3, pl.ds(base, tpw)], h_v, sin),
            pltpu.async_copy(labs_hbm.at[pl.ds(ibase, tpw)], la_v, sin),
            pltpu.async_copy(labs_hbm.at[pl.ds(ibase + tpw, tpw)], lb_v,
                             sin),
        ]
        for cp in copies:
            cp.wait()

        def cell_of(x, y):
            gx = jnp.minimum(jnp.maximum(x * float(_W), 0.0),
                             float(_W - 1)).astype(jnp.int32)
            gy = jnp.minimum(jnp.maximum(y * float(_H), 0.0),
                             float(_H - 1)).astype(jnp.int32)
            return gy * _W + gx + img * _HW

        xa, xb, ya, yb = xa_v[...], xb_v[...], ya_v[...], yb_v[...]
        la, lb = la_v[...], lb_v[...]
        cell_a = cell_of(xa, ya)
        cell_b = cell_of(xb, yb)
        key_a = (cell_a << 7) | la
        key_b = (cell_b << 7) | lb
        second = par == 1
        cell = jnp.where(second, cell_b, cell_a)
        key = jnp.where(second, key_b, key_a)
        labf = jnp.where(second, lb, la).astype(jnp.float32)
        x = jnp.where(second, xb, xa)
        y = jnp.where(second, yb, ya)

        lanes = lax.iota(jnp.int32, L)
        one = jnp.full((L,), 1, jnp.int32)
        zero = jnp.full((L,), 0, jnp.int32)
        firstm = jnp.where(par == 0, one, zero)
        loser_c = zero
        loser_k = zero
        for k in range(1, tpw):
            idx = (lanes + k) & (L - 1)
            pk = _vperm(key, idx)
            m = jnp.where(lanes < (tpw - k), one, zero)
            loser_c = loser_c | (jnp.where((pk >> 7) == cell, one, zero) & m)
            loser_k = loser_k | (jnp.where(pk == key, one, zero) & m)
        for k in range(tpw):
            idx = (lanes + k) & (L - 1)
            pk = _vperm(key_b, idx)
            loser_c = loser_c | (jnp.where((pk >> 7) == cell, one, zero)
                                 & firstm)
            loser_k = loser_k | (jnp.where(pk == key, one, zero) & firstm)

        winner = jnp.where(loser_c == 0, 1.0, 0.0)
        winner2 = jnp.where(loser_k == 0, 1.0, 0.0)
        fields = (cell.astype(jnp.float32), winner, winner2, labf,
                  x, y, w_v[...], h_v[...])
        for k, val in enumerate(fields):
            pk_v[pl.ds(k * tpw, tpw)] = val
        outs = [
            pltpu.async_copy(pk_v.at[pl.ds(k * tpw, tpw)],
                             out_hbm.at[img, k, pl.ds(par * tpw, tpw)], sout)
            for k in range(8)
        ]
        for cp in outs:
            cp.wait()

    return sc(tbT, labs)



def _softplus(x):
    return jnp.maximum(x, 0.0) + jnp.log1p(jnp.exp(-jnp.abs(x)))


def _atan_pos(x):
    big = x > 2.414213562373095
    mid = x > 0.4142135623730950
    xr = jnp.where(big, -1.0 / (x + 1e-30),
                   jnp.where(mid, (x - 1.0) / (x + 1.0), x))
    bias = jnp.where(big, math.pi / 2, jnp.where(mid, math.pi / 4, 0.0))
    z = xr * xr
    y = (((8.05374449538e-2 * z - 1.38776856032e-1) * z
          + 1.99777106478e-1) * z - 3.33329491539e-1) * z * xr + xr
    return bias + y


def _tdot(a, b):
    return lax.dot_general(a, b, (((0,), (0,)), ((), ())),
                           preferred_element_type=jnp.float32)


def _tc_body(bbox_ref, cls_ref, pk_ref,
             tot_ref, objl_ref, boxl_ref, clsl_ref, acc):
    eps = 1e-7
    b = pl.program_id(0)
    f32 = jnp.float32
    i32 = jnp.int32
    nt = 2 * _N
    ncell = 2 * _HW
    pk = jnp.concatenate([pk_ref[0][:, 0:_N], pk_ref[1][:, 0:_N]],
                         axis=1)
    cellf = pk[0:1, :]
    win = pk[1:2, :]
    w2 = pk[2:3, :]
    lab = pk[3:4, :].astype(i32)
    tx, ty = pk[4:5, :], pk[5:6, :]
    tw, th = pk[6:7, :], pk[7:8, :]
    cells_loc = cellf.astype(i32) - b * ncell

    pcell = lax.broadcasted_iota(i32, (ncell, nt), 0)
    PT = (pcell == cells_loc).astype(f32)
    bb5 = jnp.concatenate([bbox_ref[0], bbox_ref[1]], axis=1)
    bbg5 = lax.dot_general(bb5, PT, (((1,), (0,)), ((), ())),
                           preferred_element_type=f32)
    objg = bbg5[4:5, :]
    clsgT = _tdot(cls_ref[...], PT)

    npos_p = jnp.sum(win)
    s_og = _softplus(objg)
    a1_p = jnp.sum(win * (s_og - objg))
    a2_p = jnp.sum(win * s_og)
    sall_p = jnp.sum(_softplus(bb5[4:5, :]))

    sig = 1.0 / (1.0 + jnp.exp(-bbg5[0:4, :]))
    px, py = sig[0:1, :], sig[1:2, :]
    pw, ph = sig[2:3, :], sig[3:4, :]
    x11, y11 = px - pw / 2, py - ph / 2
    x12, y12 = px + pw / 2, py + ph / 2
    x21, y21 = tx - tw / 2, ty - th / 2
    x22, y22 = tx + tw / 2, ty + th / 2
    w1, h1 = x12 - x11, y12 - y11
    w2_, h2_ = x22 - x21, y22 - y21
    inter_w = jnp.maximum(jnp.minimum(x12, x22) - jnp.maximum(x11, x21), 0.0)
    inter_h = jnp.maximum(jnp.minimum(y12, y22) - jnp.maximum(y11, y21), 0.0)
    inter = inter_w * inter_h
    union = w1 * h1 + w2_ * h2_ - inter + eps
    iou = inter / union
    cw = jnp.maximum(x12, x22) - jnp.minimum(x11, x21)
    ch = jnp.maximum(y12, y22) - jnp.minimum(y11, y21)
    c2 = cw * cw + ch * ch + eps
    rho2 = ((x21 + x22 - x11 - x12) ** 2 + (y21 + y22 - y11 - y12) ** 2) / 4.0
    v = (4.0 / _PI2) * (_atan_pos(w2_ / (h2_ + eps))
                        - _atan_pos(w1 / (h1 + eps))) ** 2
    alpha = v / (1.0 - iou + v + eps)
    ciou = iou - (rho2 / c2 + alpha * v)
    box_p = jnp.sum(win * (1.0 - ciou))

    rs = jnp.sum(_softplus(clsgT), axis=0, keepdims=True)
    onehotT = (lax.broadcasted_iota(i32, (_C, 2 * _N), 0) == lab)
    picked = jnp.sum(clsgT * onehotT.astype(f32), axis=0, keepdims=True)
    cls1_p = jnp.sum(win * rs)
    cls2_p = jnp.sum(w2 * picked)

    parts = (npos_p, a1_p, a2_p, sall_p, box_p, cls1_p, cls2_p)
    for i, p in enumerate(parts):
        acc[i] = jnp.where(b == 0, p, acc[i] + p)

    @pl.when(b == pl.num_programs(0) - 1)
    def _():
        n_pos = jnp.maximum(acc[0], 1.0)
        n_neg = jnp.maximum(float(_G) - acc[0], 1.0)
        obj_loss = acc[1] / n_pos + 0.5 * (acc[3] - acc[2]) / n_neg
        box_loss = acc[4] / n_pos
        cls_loss = (acc[5] - acc[6]) / (n_pos * float(_C))
        total = obj_loss + 5.0 * box_loss + 1.0 * cls_loss
        tot_ref[...] = jnp.reshape(total, (1, 1))
        objl_ref[...] = jnp.reshape(obj_loss, (1, 1))
        boxl_ref[...] = jnp.reshape(box_loss, (1, 1))
        clsl_ref[...] = jnp.reshape(cls_loss, (1, 1))


def _tc_loss(bbox5, cls2d, packed):
    out = jax.ShapeDtypeStruct((1, 1), jnp.float32)
    o_spec = pl.BlockSpec((1, 1), lambda b: (0, 0))
    return pl.pallas_call(
        _tc_body,
        grid=(_B // 2,),
        in_specs=[
            pl.BlockSpec((2, 5, _HW), lambda b: (b, 0, 0)),
            pl.BlockSpec((2 * _HW, _C), lambda b: (b, 0)),
            pl.BlockSpec((2, 8, 128), lambda b: (b, 0, 0)),
        ],
        out_specs=(o_spec, o_spec, o_spec, o_spec),
        out_shape=(out, out, out, out),
        scratch_shapes=[pltpu.SMEM((8,), jnp.float32)],
    )(bbox5, cls2d, packed)



def kernel(obj, bbox, cls, target_boxes, target_labels):
    cls2d = cls.reshape(_G, _C)
    bbox5 = jnp.concatenate(
        [bbox.transpose(0, 3, 1, 2).reshape(_B, 4, _HW),
         obj.reshape(_B, 1, _HW)], axis=1)
    tbT = jnp.transpose(target_boxes, (2, 0, 1)).reshape(4, _T)
    labs = target_labels.reshape(_T).astype(jnp.int32)
    packed = _sc_dedup(tbT, labs)
    tot, objl, boxl, clsl = _tc_loss(bbox5, cls2d, packed)
    return (tot[0, 0], objl[0, 0], boxl[0, 0], clsl[0, 0])

# --- scband reference (transcript-rebuilt; emitter-appended) ---
"""Pipeline reference for scband-yololoss-91207925498400 (READ-ONLY COPY).

The authoritative reference and input builder live on the scoring server;
editing this copy changes nothing except your own understanding.
"""

import jax, jax.numpy as jnp
import numpy as np
import math

B, H, W, C, N = 16, 32, 32, 80, 32
W_OBJ, W_NOOBJ, W_BBOX, W_CLS = 1.0, 0.5, 5.0, 1.0


def setup_inputs(seed: int = 0) -> dict:
    key = jax.random.key(seed)
    ks = jax.random.split(key, 5)
    obj = jax.random.normal(ks[0], (B, H, W), dtype=jnp.float32)
    bbox = jax.random.normal(ks[1], (B, H, W, 4), dtype=jnp.float32)
    cls = jax.random.normal(ks[2], (B, H, W, C), dtype=jnp.float32)
    target_boxes = jax.random.uniform(ks[3], (B, N, 4), dtype=jnp.float32)
    target_labels = jax.random.randint(ks[4], (B, N), 0, C)
    return {"obj": obj, "bbox": bbox, "cls": cls,
            "target_boxes": target_boxes, "target_labels": target_labels}


def _bce_logits(logits, targets):
    # numerically stable binary_cross_entropy_with_logits (elementwise)
    return jnp.maximum(logits, 0.0) - logits * targets + jnp.log1p(jnp.exp(-jnp.abs(logits)))


def decode_boxes(raw):
    # decode raw bbox predictions to normalized cxcywh in [0,1]
    return jax.nn.sigmoid(raw)


def box_cxcywh_to_xyxy(b):
    cx, cy, w, h = b[..., 0], b[..., 1], b[..., 2], b[..., 3]
    return jnp.stack([cx - w / 2, cy - h / 2, cx + w / 2, cy + h / 2], axis=-1)


def ciou(b1, b2, eps=1e-7):
    x11, y11, x12, y12 = b1[..., 0], b1[..., 1], b1[..., 2], b1[..., 3]
    x21, y21, x22, y22 = b2[..., 0], b2[..., 1], b2[..., 2], b2[..., 3]
    w1, h1 = x12 - x11, y12 - y11
    w2, h2 = x22 - x21, y22 - y21
    inter_w = jnp.clip(jnp.minimum(x12, x22) - jnp.maximum(x11, x21), 0.0)
    inter_h = jnp.clip(jnp.minimum(y12, y22) - jnp.maximum(y11, y21), 0.0)
    inter = inter_w * inter_h
    union = w1 * h1 + w2 * h2 - inter + eps
    iou = inter / union
    cw = jnp.maximum(x12, x22) - jnp.minimum(x11, x21)
    ch = jnp.maximum(y12, y22) - jnp.minimum(y11, y21)
    c2 = cw * cw + ch * ch + eps
    rho2 = ((x21 + x22 - x11 - x12) ** 2 + (y21 + y22 - y11 - y12) ** 2) / 4.0
    v = (4.0 / (math.pi ** 2)) * (jnp.arctan(w2 / (h2 + eps)) - jnp.arctan(w1 / (h1 + eps))) ** 2
    alpha = v / (1.0 - iou + v + eps)
    return iou - (rho2 / c2 + alpha * v)


def reference(obj, bbox, cls, target_boxes, target_labels):
    Bv, Hv, Wv = obj.shape
    Cv = cls.shape[-1]
    # ---- build_targets (vectorized scatter over all images/targets) ----
    b_idx = jnp.broadcast_to(jnp.arange(Bv)[:, None], target_labels.shape)
    gx = jnp.clip(target_boxes[..., 0] * Wv, 0, Wv - 1).astype(jnp.int32)
    gy = jnp.clip(target_boxes[..., 1] * Hv, 0, Hv - 1).astype(jnp.int32)
    obj_t = jnp.zeros((Bv, Hv, Wv), jnp.float32).at[b_idx, gy, gx].set(1.0)
    box_t = jnp.zeros((Bv, Hv, Wv, 4), jnp.float32).at[b_idx, gy, gx].set(target_boxes)
    cls_t = jnp.zeros((Bv, Hv, Wv, Cv), jnp.float32).at[b_idx, gy, gx, target_labels].set(1.0)
    pos = jnp.zeros((Bv, Hv, Wv), jnp.float32).at[b_idx, gy, gx].set(1.0)
    neg = 1.0 - pos
    n_pos = jnp.maximum(pos.sum(), 1.0)
    n_neg = jnp.maximum(neg.sum(), 1.0)
    # ---- objectness loss ----
    bce_obj = _bce_logits(obj, obj_t)
    obj_pos = (bce_obj * pos).sum() / n_pos
    obj_neg = (bce_obj * neg).sum() / n_neg
    obj_loss = W_OBJ * obj_pos + W_NOOBJ * obj_neg
    # ---- bbox CIoU loss ----
    pred_boxes = decode_boxes(bbox)
    ciou_val = ciou(box_cxcywh_to_xyxy(pred_boxes), box_cxcywh_to_xyxy(box_t))
    box_loss = ((1.0 - ciou_val) * pos).sum() / n_pos
    # ---- classification loss ----
    bce_cls = _bce_logits(cls, cls_t)
    cls_loss = (bce_cls * pos[..., None]).sum() / (n_pos * Cv)
    total = obj_loss + W_BBOX * box_loss + W_CLS * cls_loss
    return (total, obj_loss, box_loss, cls_loss)

if __name__ == "__main__":
    import jax
    _d = setup_inputs()
    print(jax.jit(kernel)(*tuple(_d.values())))

</pallas_src>

<mosaic_0001>
#map = affine_map<(d0, d1) -> (0, 0)>
#map1 = affine_map<(d0, d1) -> (0)>
#map2 = affine_map<(d0, d1) -> (0, 0, 0)>
module attributes {stable_mosaic.version = 14 : i64} {
  func.func @sc(%arg0: i32, %arg1: i32, %arg2: memref<4x512xf32, #tpu.memory_space<hbm>>, %arg3: memref<512xi32, #tpu.memory_space<hbm>>, %arg4: memref<16x8x128xf32, #tpu.memory_space<hbm>>, %arg5: memref<16xf32, #tpu.memory_space<vmem>>, %arg6: memref<16xf32, #tpu.memory_space<vmem>>, %arg7: memref<16xf32, #tpu.memory_space<vmem>>, %arg8: memref<16xf32, #tpu.memory_space<vmem>>, %arg9: memref<16xf32, #tpu.memory_space<vmem>>, %arg10: memref<16xf32, #tpu.memory_space<vmem>>, %arg11: memref<16xi32, #tpu.memory_space<vmem>>, %arg12: memref<16xi32, #tpu.memory_space<vmem>>, %arg13: memref<128xf32, #tpu.memory_space<vmem>>, %arg14: memref<!tpu.dma_semaphore, #tpu.memory_space<semaphore_mem>>, %arg15: memref<!tpu.dma_semaphore, #tpu.memory_space<semaphore_mem>>) attributes {dimension_semantics = [#tpu.dimension_semantics<core_parallel>, #tpu.dimension_semantics<subcore_parallel>], iteration_bounds = array<i64: 2, 16>, scalar_prefetch = 0 : i64, scratch_operands = 11 : i64, tpu.core_type = #tpu.core_type<sc_vector_subcore>, window_params = [{transform_indices = #map}, {transform_indices = #map1}, {transform_indices = #map2}]} {
    %mul3A = arith.constant 2 : i32
    %mul3A_0 = arith.muli %arg1, %mul3A : i32
    %add3A = arith.addi %mul3A_0, %arg0 : i32
    %mul3A_1 = arith.constant 16 : i32
    %mul3A_2 = arith.muli %add3A, %mul3A_1 : i32
    %jit3A = arith.constant 2 : i32
    %div3A = arith.divsi %add3A, %jit3A : i32
    %sign3A = arith.constant 0 : i32
    %sign3A_3 = arith.cmpi sgt, %add3A, %sign3A : i32
    %sign3A_4 = arith.extui %sign3A_3 : i1 to i32
    %sign3A_5 = arith.constant 0 : i32
    %sign3A_6 = arith.cmpi slt, %add3A, %sign3A_5 : i32
    %sign3A_7 = arith.extui %sign3A_6 : i1 to i32
    %sign3A_8 = arith.subi %sign3A_4, %sign3A_7 : i32
    %sign3A_9 = arith.constant 0 : i32
    %sign3A_10 = arith.cmpi sgt, %jit3A, %sign3A_9 : i32
    %sign3A_11 = arith.extui %sign3A_10 : i1 to i32
    %sign3A_12 = arith.constant 0 : i32
    %sign3A_13 = arith.cmpi slt, %jit3A, %sign3A_12 : i32
    %sign3A_14 = arith.extui %sign3A_13 : i1 to i32
    %sign3A_15 = arith.subi %sign3A_11, %sign3A_14 : i32
    %ne3A = arith.cmpi ne, %sign3A_8, %sign3A_15 : i32
    %rem3A = arith.remsi %add3A, %jit3A : i32
    %ne3A_16 = arith.constant 0 : i32
    %ne3A_17 = arith.cmpi ne, %rem3A, %ne3A_16 : i32
    %and3A = arith.andi %ne3A, %ne3A_17 : i1
    %sub3A = arith.constant 1 : i32
    %sub3A_18 = arith.subi %div3A, %sub3A : i32
    %select_n3A = arith.select %and3A, %sub3A_18, %div3A : i32
    %mul3A_19 = arith.constant 2 : i32
    %mul3A_20 = arith.muli %select_n3A, %mul3A_19 : i32
    %sub3A_21 = arith.subi %add3A, %mul3A_20 : i32
    %mul3A_22 = arith.constant 32 : i32
    %mul3A_23 = arith.muli %select_n3A, %mul3A_22 : i32
    %dma_start3A = arith.constant 0 : i32
    %dma_start3A_24 = tpu.memref_slice %arg2[%dma_start3A, %mul3A_23] : memref<4x512xf32, #tpu.memory_space<hbm>> -> memref<1x16xf32, #tpu.memory_space<hbm>>
    %dma_start3A_25 = tpu.memref_squeeze %dma_start3A_24 : memref<1x16xf32, #tpu.memory_space<hbm>> -> memref<16xf32, #tpu.memory_space<hbm>>
    %dma_start3A_26 = tpu.memref_slice %arg2[%dma_start3A, %mul3A_23] : memref<4x512xf32, #tpu.memory_space<hbm>> -> memref<1x16xf32, #tpu.memory_space<hbm>>
    %dma_start3A_27 = tpu.memref_squeeze %dma_start3A_26 : memref<1x16xf32, #tpu.memory_space<hbm>> -> memref<16xf32, #tpu.memory_space<hbm>>
    tpu.enqueue_dma source(%dma_start3A_27 : memref<16xf32, #tpu.memory_space<hbm>>) target(%arg5 : memref<16xf32, #tpu.memory_space<vmem>>) target_semaphore(%arg14 : memref<!tpu.dma_semaphore, #tpu.memory_space<semaphore_mem>>)
    %add3A_28 = arith.constant 16 : i32
    %add3A_29 = arith.addi %mul3A_23, %add3A_28 : i32
    %dma_start3A_30 = arith.constant 0 : i32
    %dma_start3A_31 = tpu.memref_slice %arg2[%dma_start3A_30, %add3A_29] : memref<4x512xf32, #tpu.memory_space<hbm>> -> memref<1x16xf32, #tpu.memory_space<hbm>>
    %dma_start3A_32 = tpu.memref_squeeze %dma_start3A_31 : memref<1x16xf32, #tpu.memory_space<hbm>> -> memref<16xf32, #tpu.memory_space<hbm>>
    %dma_start3A_33 = tpu.memref_slice %arg2[%dma_start3A_30, %add3A_29] : memref<4x512xf32, #tpu.memory_space<hbm>> -> memref<1x16xf32, #tpu.memory_space<hbm>>
    %dma_start3A_34 = tpu.memref_squeeze %dma_start3A_33 : memref<1x16xf32, #tpu.memory_space<hbm>> -> memref<16xf32, #tpu.memory_space<hbm>>
    tpu.enqueue_dma source(%dma_start3A_34 : memref<16xf32, #tpu.memory_space<hbm>>) target(%arg6 : memref<16xf32, #tpu.memory_space<vmem>>) target_semaphore(%arg14 : memref<!tpu.dma_semaphore, #tpu.memory_space<semaphore_mem>>)
    %dma_start3A_35 = arith.constant 1 : i32
    %dma_start3A_36 = tpu.memref_slice %arg2[%dma_start3A_35, %mul3A_23] : memref<4x512xf32, #tpu.memory_space<hbm>> -> memref<1x16xf32, #tpu.memory_space<hbm>>
    %dma_start3A_37 = tpu.memref_squeeze %dma_start3A_36 : memref<1x16xf32, #tpu.memory_space<hbm>> -> memref<16xf32, #tpu.memory_space<hbm>>
    %dma_start3A_38 = tpu.memref_slice %arg2[%dma_start3A_35, %mul3A_23] : memref<4x512xf32, #tpu.memory_space<hbm>> -> memref<1x16xf32, #tpu.memory_space<hbm>>
    %dma_start3A_39 = tpu.memref_squeeze %dma_start3A_38 : memref<1x16xf32, #tpu.memory_space<hbm>> -> memref<16xf32, #tpu.memory_space<hbm>>
    tpu.enqueue_dma source(%dma_start3A_39 : memref<16xf32, #tpu.memory_space<hbm>>) target(%arg7 : memref<16xf32, #tpu.memory_space<vmem>>) target_semaphore(%arg14 : memref<!tpu.dma_semaphore, #tpu.memory_space<semaphore_mem>>)
    %add3A_40 = arith.constant 16 : i32
    %add3A_41 = arith.addi %mul3A_23, %add3A_40 : i32
    %dma_start3A_42 = arith.constant 1 : i32
    %dma_start3A_43 = tpu.memref_slice %arg2[%dma_start3A_42, %add3A_41] : memref<4x512xf32, #tpu.memory_space<hbm>> -> memref<1x16xf32, #tpu.memory_space<hbm>>
    %dma_start3A_44 = tpu.memref_squeeze %dma_start3A_43 : memref<1x16xf32, #tpu.memory_space<hbm>> -> memref<16xf32, #tpu.memory_space<hbm>>
    %dma_start3A_45 = tpu.memref_slice %arg2[%dma_start3A_42, %add3A_41] : memref<4x512xf32, #tpu.memory_space<hbm>> -> memref<1x16xf32, #tpu.memory_space<hbm>>
    %dma_start3A_46 = tpu.memref_squeeze %dma_start3A_45 : memref<1x16xf32, #tpu.memory_space<hbm>> -> memref<16xf32, #tpu.memory_space<hbm>>
    tpu.enqueue_dma source(%dma_start3A_46 : memref<16xf32, #tpu.memory_space<hbm>>) target(%arg8 : memref<16xf32, #tpu.memory_space<vmem>>) target_semaphore(%arg14 : memref<!tpu.dma_semaphore, #tpu.memory_space<semaphore_mem>>)
    %dma_start3A_47 = arith.constant 2 : i32
    %dma_start3A_48 = tpu.memref_slice %arg2[%dma_start3A_47, %mul3A_2] : memref<4x512xf32, #tpu.memory_space<hbm>> -> memref<1x16xf32, #tpu.memory_space<hbm>>
    %dma_start3A_49 = tpu.memref_squeeze %dma_start3A_48 : memref<1x16xf32, #tpu.memory_space<hbm>> -> memref<16xf32, #tpu.memory_space<hbm>>
    %dma_start3A_50 = tpu.memref_slice %arg2[%dma_start3A_47, %mul3A_2] : memref<4x512xf32, #tpu.memory_space<hbm>> -> memref<1x16xf32, #tpu.memory_space<hbm>>
    %dma_start3A_51 = tpu.memref_squeeze %dma_start3A_50 : memref<1x16xf32, #tpu.memory_space<hbm>> -> memref<16xf32, #tpu.memory_space<hbm>>
    tpu.enqueue_dma source(%dma_start3A_51 : memref<16xf32, #tpu.memory_space<hbm>>) target(%arg9 : memref<16xf32, #tpu.memory_space<vmem>>) target_semaphore(%arg14 : memref<!tpu.dma_semaphore, #tpu.memory_space<semaphore_mem>>)
    %dma_start3A_52 = arith.constant 3 : i32
    %dma_start3A_53 = tpu.memref_slice %arg2[%dma_start3A_52, %mul3A_2] : memref<4x512xf32, #tpu.memory_space<hbm>> -> memref<1x16xf32, #tpu.memory_space<hbm>>
    %dma_start3A_54 = tpu.memref_squeeze %dma_start3A_53 : memref<1x16xf32, #tpu.memory_space<hbm>> -> memref<16xf32, #tpu.memory_space<hbm>>
    %dma_start3A_55 = tpu.memref_slice %arg2[%dma_start3A_52, %mul3A_2] : memref<4x512xf32, #tpu.memory_space<hbm>> -> memref<1x16xf32, #tpu.memory_space<hbm>>
    %dma_start3A_56 = tpu.memref_squeeze %dma_start3A_55 : memref<1x16xf32, #tpu.memory_space<hbm>> -> memref<16xf32, #tpu.memory_space<hbm>>
    tpu.enqueue_dma source(%dma_start3A_56 : memref<16xf32, #tpu.memory_space<hbm>>) target(%arg10 : memref<16xf32, #tpu.memory_space<vmem>>) target_semaphore(%arg14 : memref<!tpu.dma_semaphore, #tpu.memory_space<semaphore_mem>>)
    %dma_start3A_57 = tpu.memref_slice %arg3[%mul3A_23] : memref<512xi32, #tpu.memory_space<hbm>> -> memref<16xi32, #tpu.memory_space<hbm>>
    %dma_start3A_58 = tpu.memref_slice %arg3[%mul3A_23] : memref<512xi32, #tpu.memory_space<hbm>> -> memref<16xi32, #tpu.memory_space<hbm>>
    tpu.enqueue_dma source(%dma_start3A_58 : memref<16xi32, #tpu.memory_space<hbm>>) target(%arg11 : memref<16xi32, #tpu.memory_space<vmem>>) target_semaphore(%arg14 : memref<!tpu.dma_semaphore, #tpu.memory_space<semaphore_mem>>)
    %add3A_59 = arith.constant 16 : i32
    %add3A_60 = arith.addi %mul3A_23, %add3A_59 : i32
    %dma_start3A_61 = tpu.memref_slice %arg3[%add3A_60] : memref<512xi32, #tpu.memory_space<hbm>> -> memref<16xi32, #tpu.memory_space<hbm>>
    %dma_start3A_62 = tpu.memref_slice %arg3[%add3A_60] : memref<512xi32, #tpu.memory_space<hbm>> -> memref<16xi32, #tpu.memory_space<hbm>>
    tpu.enqueue_dma source(%dma_start3A_62 : memref<16xi32, #tpu.memory_space<hbm>>) target(%arg12 : memref<16xi32, #tpu.memory_space<vmem>>) target_semaphore(%arg14 : memref<!tpu.dma_semaphore, #tpu.memory_space<semaphore_mem>>)
    %dma_wait3A = arith.constant 0 : i32
    %dma_wait3A_63 = tpu.memref_slice %arg2[%dma_wait3A, %mul3A_23] : memref<4x512xf32, #tpu.memory_space<hbm>> -> memref<1x16xf32, #tpu.memory_space<hbm>>
    %dma_wait3A_64 = tpu.memref_squeeze %dma_wait3A_63 : memref<1x16xf32, #tpu.memory_space<hbm>> -> memref<16xf32, #tpu.memory_space<hbm>>
    %dma_wait3A_65 = tpu.memref_slice %arg2[%dma_wait3A, %mul3A_23] : memref<4x512xf32, #tpu.memory_space<hbm>> -> memref<1x16xf32, #tpu.memory_space<hbm>>
    %dma_wait3A_66 = tpu.memref_squeeze %dma_wait3A_65 : memref<1x16xf32, #tpu.memory_space<hbm>> -> memref<16xf32, #tpu.memory_space<hbm>>
    tpu.wait_dma2 semaphore(%arg14 : memref<!tpu.dma_semaphore, #tpu.memory_space<semaphore_mem>>) src(%dma_wait3A_66 : memref<16xf32, #tpu.memory_space<hbm>>) dst(%arg5 : memref<16xf32, #tpu.memory_space<vmem>>)
    %dma_wait3A_67 = arith.constant 0 : i32
    %dma_wait3A_68 = tpu.memref_slice %arg2[%dma_wait3A_67, %add3A_29] : memref<4x512xf32, #tpu.memory_space<hbm>> -> memref<1x16xf32, #tpu.memory_space<hbm>>
    %dma_wait3A_69 = tpu.memref_squeeze %dma_wait3A_68 : memref<1x16xf32, #tpu.memory_space<hbm>> -> memref<16xf32, #tpu.memory_space<hbm>>
    %dma_wait3A_70 = tpu.memref_slice %arg2[%dma_wait3A_67, %add3A_29] : memref<4x512xf32, #tpu.memory_space<hbm>> -> memref<1x16xf32, #tpu.memory_space<hbm>>
    %dma_wait3A_71 = tpu.memref_squeeze %dma_wait3A_70 : memref<1x16xf32, #tpu.memory_space<hbm>> -> memref<16xf32, #tpu.memory_space<hbm>>
    tpu.wait_dma2 semaphore(%arg14 : memref<!tpu.dma_semaphore, #tpu.memory_space<semaphore_mem>>) src(%dma_wait3A_71 : memref<16xf32, #tpu.memory_space<hbm>>) dst(%arg6 : memref<16xf32, #tpu.memory_space<vmem>>)
    %dma_wait3A_72 = arith.constant 1 : i32
    %dma_wait3A_73 = tpu.memref_slice %arg2[%dma_wait3A_72, %mul3A_23] : memref<4x512xf32, #tpu.memory_space<hbm>> -> memref<1x16xf32, #tpu.memory_space<hbm>>
    %dma_wait3A_74 = tpu.memref_squeeze %dma_wait3A_73 : memref<1x16xf32, #tpu.memory_space<hbm>> -> memref<16xf32, #tpu.memory_space<hbm>>
    %dma_wait3A_75 = tpu.memref_slice %arg2[%dma_wait3A_72, %mul3A_23] : memref<4x512xf32, #tpu.memory_space<hbm>> -> memref<1x16xf32, #tpu.memory_space<hbm>>
    %dma_wait3A_76 = tpu.memref_squeeze %dma_wait3A_75 : memref<1x16xf32, #tpu.memory_space<hbm>> -> memref<16xf32, #tpu.memory_space<hbm>>
    tpu.wait_dma2 semaphore(%arg14 : memref<!tpu.dma_semaphore, #tpu.memory_space<semaphore_mem>>) src(%dma_wait3A_76 : memref<16xf32, #tpu.memory_space<hbm>>) dst(%arg7 : memref<16xf32, #tpu.memory_space<vmem>>)
    %dma_wait3A_77 = arith.constant 1 : i32
    %dma_wait3A_78 = tpu.memref_slice %arg2[%dma_wait3A_77, %add3A_41] : memref<4x512xf32, #tpu.memory_space<hbm>> -> memref<1x16xf32, #tpu.memory_space<hbm>>
    %dma_wait3A_79 = tpu.memref_squeeze %dma_wait3A_78 : memref<1x16xf32, #tpu.memory_space<hbm>> -> memref<16xf32, #tpu.memory_space<hbm>>
    %dma_wait3A_80 = tpu.memref_slice %arg2[%dma_wait3A_77, %add3A_41] : memref<4x512xf32, #tpu.memory_space<hbm>> -> memref<1x16xf32, #tpu.memory_space<hbm>>
    %dma_wait3A_81 = tpu.memref_squeeze %dma_wait3A_80 : memref<1x16xf32, #tpu.memory_space<hbm>> -> memref<16xf32, #tpu.memory_space<hbm>>
    tpu.wait_dma2 semaphore(%arg14 : memref<!tpu.dma_semaphore, #tpu.memory_space<semaphore_mem>>) src(%dma_wait3A_81 : memref<16xf32, #tpu.memory_space<hbm>>) dst(%arg8 : memref<16xf32, #tpu.memory_space<vmem>>)
    %dma_wait3A_82 = arith.constant 2 : i32
    %dma_wait3A_83 = tpu.memref_slice %arg2[%dma_wait3A_82, %mul3A_2] : memref<4x512xf32, #tpu.memory_space<hbm>> -> memref<1x16xf32, #tpu.memory_space<hbm>>
    %dma_wait3A_84 = tpu.memref_squeeze %dma_wait3A_83 : memref<1x16xf32, #tpu.memory_space<hbm>> -> memref<16xf32, #tpu.memory_space<hbm>>
    %dma_wait3A_85 = tpu.memref_slice %arg2[%dma_wait3A_82, %mul3A_2] : memref<4x512xf32, #tpu.memory_space<hbm>> -> memref<1x16xf32, #tpu.memory_space<hbm>>
    %dma_wait3A_86 = tpu.memref_squeeze %dma_wait3A_85 : memref<1x16xf32, #tpu.memory_space<hbm>> -> memref<16xf32, #tpu.memory_space<hbm>>
    tpu.wait_dma2 semaphore(%arg14 : memref<!tpu.dma_semaphore, #tpu.memory_space<semaphore_mem>>) src(%dma_wait3A_86 : memref<16xf32, #tpu.memory_space<hbm>>) dst(%arg9 : memref<16xf32, #tpu.memory_space<vmem>>)
    %dma_wait3A_87 = arith.constant 3 : i32
    %dma_wait3A_88 = tpu.memref_slice %arg2[%dma_wait3A_87, %mul3A_2] : memref<4x512xf32, #tpu.memory_space<hbm>> -> memref<1x16xf32, #tpu.memory_space<hbm>>
    %dma_wait3A_89 = tpu.memref_squeeze %dma_wait3A_88 : memref<1x16xf32, #tpu.memory_space<hbm>> -> memref<16xf32, #tpu.memory_space<hbm>>
    %dma_wait3A_90 = tpu.memref_slice %arg2[%dma_wait3A_87, %mul3A_2] : memref<4x512xf32, #tpu.memory_space<hbm>> -> memref<1x16xf32, #tpu.memory_space<hbm>>
    %dma_wait3A_91 = tpu.memref_squeeze %dma_wait3A_90 : memref<1x16xf32, #tpu.memory_space<hbm>> -> memref<16xf32, #tpu.memory_space<hbm>>
    tpu.wait_dma2 semaphore(%arg14 : memref<!tpu.dma_semaphore, #tpu.memory_space<semaphore_mem>>) src(%dma_wait3A_91 : memref<16xf32, #tpu.memory_space<hbm>>) dst(%arg10 : memref<16xf32, #tpu.memory_space<vmem>>)
    %dma_wait3A_92 = tpu.memref_slice %arg3[%mul3A_23] : memref<512xi32, #tpu.memory_space<hbm>> -> memref<16xi32, #tpu.memory_space<hbm>>
    %dma_wait3A_93 = tpu.memref_slice %arg3[%mul3A_23] : memref<512xi32, #tpu.memory_space<hbm>> -> memref<16xi32, #tpu.memory_space<hbm>>
    tpu.wait_dma2 semaphore(%arg14 : memref<!tpu.dma_semaphore, #tpu.memory_space<semaphore_mem>>) src(%dma_wait3A_93 : memref<16xi32, #tpu.memory_space<hbm>>) dst(%arg11 : memref<16xi32, #tpu.memory_space<vmem>>)
    %dma_wait3A_94 = tpu.memref_slice %arg3[%add3A_60] : memref<512xi32, #tpu.memory_space<hbm>> -> memref<16xi32, #tpu.memory_space<hbm>>
    %dma_wait3A_95 = tpu.memref_slice %arg3[%add3A_60] : memref<512xi32, #tpu.memory_space<hbm>> -> memref<16xi32, #tpu.memory_space<hbm>>
    tpu.wait_dma2 semaphore(%arg14 : memref<!tpu.dma_semaphore, #tpu.memory_space<semaphore_mem>>) src(%dma_wait3A_95 : memref<16xi32, #tpu.memory_space<hbm>>) dst(%arg12 : memref<16xi32, #tpu.memory_space<vmem>>)
    %get3A = arith.constant 0 : index
    %get3A_96 = tpu.vector_load %arg5[%get3A] {strides = array<i32>} : memref<16xf32, #tpu.memory_space<vmem>>, vector<16xf32>,
    %get3A_97 = vector.shape_cast %get3A_96 : vector<16xf32> to vector<16xf32>
    %get3A_98 = arith.constant 0 : index
    %get3A_99 = tpu.vector_load %arg6[%get3A_98] {strides = array<i32>} : memref<16xf32, #tpu.memory_space<vmem>>, vector<16xf32>,
    %get3A_100 = vector.shape_cast %get3A_99 : vector<16xf32> to vector<16xf32>
    %get3A_101 = arith.constant 0 : index
    %get3A_102 = tpu.vector_load %arg7[%get3A_101] {strides = array<i32>} : memref<16xf32, #tpu.memory_space<vmem>>, vector<16xf32>,
    %get3A_103 = vector.shape_cast %get3A_102 : vector<16xf32> to vector<16xf32>
    %get3A_104 = arith.constant 0 : index
    %get3A_105 = tpu.vector_load %arg8[%get3A_104] {strides = array<i32>} : memref<16xf32, #tpu.memory_space<vmem>>, vector<16xf32>,
    %get3A_106 = vector.shape_cast %get3A_105 : vector<16xf32> to vector<16xf32>
    %get3A_107 = arith.constant 0 : index
    %get3A_108 = tpu.vector_load %arg11[%get3A_107] {strides = array<i32>} : memref<16xi32, #tpu.memory_space<vmem>>, vector<16xi32>,
    %get3A_109 = vector.shape_cast %get3A_108 : vector<16xi32> to vector<16xi32>
    %get3A_110 = arith.constant 0 : index
    %get3A_111 = tpu.vector_load %arg12[%get3A_110] {strides = array<i32>} : memref<16xi32, #tpu.memory_space<vmem>>, vector<16xi32>,
    %get3A_112 = vector.shape_cast %get3A_111 : vector<16xi32> to vector<16xi32>
    %mul3A_113 = arith.constant 3.200000e+01 : f32
    %mul3A_114 = vector.broadcast %mul3A_113 : f32 to vector<16xf32>
    %mul3A_115 = arith.mulf %get3A_97, %mul3A_114 : vector<16xf32>
    %max3A = arith.constant 0.000000e+00 : f32
    %max3A_116 = vector.broadcast %max3A : f32 to vector<16xf32>
    %max3A_117 = arith.maximumf %mul3A_115, %max3A_116 : vector<16xf32>
    %min3A = arith.constant 3.100000e+01 : f32
    %min3A_118 = vector.broadcast %min3A : f32 to vector<16xf32>
    %min3A_119 = arith.minimumf %max3A_117, %min3A_118 : vector<16xf32>
    %convert_element_type3A = arith.fptosi %min3A_119 : vector<16xf32> to vector<16xi32>
    %mul3A_120 = arith.constant 3.200000e+01 : f32
    %mul3A_121 = vector.broadcast %mul3A_120 : f32 to vector<16xf32>
    %mul3A_122 = arith.mulf %get3A_103, %mul3A_121 : vector<16xf32>
    %max3A_123 = arith.constant 0.000000e+00 : f32
    %max3A_124 = vector.broadcast %max3A_123 : f32 to vector<16xf32>
    %max3A_125 = arith.maximumf %mul3A_122, %max3A_124 : vector<16xf32>
    %min3A_126 = arith.constant 3.100000e+01 : f32
    %min3A_127 = vector.broadcast %min3A_126 : f32 to vector<16xf32>
    %min3A_128 = arith.minimumf %max3A_125, %min3A_127 : vector<16xf32>
    %convert_element_type3A_129 = arith.fptosi %min3A_128 : vector<16xf32> to vector<16xi32>
    %mul3A_130 = arith.constant 32 : i32
    %mul3A_131 = vector.broadcast %mul3A_130 : i32 to vector<16xi32>
    %mul3A_132 = arith.muli %convert_element_type3A_129, %mul3A_131 : vector<16xi32>
    %add3A_133 = arith.addi %mul3A_132, %convert_element_type3A : vector<16xi32>
    %mul3A_134 = arith.constant 1024 : i32
    %mul3A_135 = arith.muli %select_n3A, %mul3A_134 : i32
    %add3A_136 = vector.broadcast %mul3A_135 : i32 to vector<16xi32>
    %add3A_137 = arith.addi %add3A_133, %add3A_136 : vector<16xi32>
    %mul3A_138 = arith.constant 3.200000e+01 : f32
    %mul3A_139 = vector.broadcast %mul3A_138 : f32 to vector<16xf32>
    %mul3A_140 = arith.mulf %get3A_100, %mul3A_139 : vector<16xf32>
    %max3A_141 = arith.constant 0.000000e+00 : f32
    %max3A_142 = vector.broadcast %max3A_141 : f32 to vector<16xf32>
    %max3A_143 = arith.maximumf %mul3A_140, %max3A_142 : vector<16xf32>
    %min3A_144 = arith.constant 3.100000e+01 : f32
    %min3A_145 = vector.broadcast %min3A_144 : f32 to vector<16xf32>
    %min3A_146 = arith.minimumf %max3A_143, %min3A_145 : vector<16xf32>
    %convert_element_type3A_147 = arith.fptosi %min3A_146 : vector<16xf32> to vector<16xi32>
    %mul3A_148 = arith.constant 3.200000e+01 : f32
    %mul3A_149 = vector.broadcast %mul3A_148 : f32 to vector<16xf32>
    %mul3A_150 = arith.mulf %get3A_106, %mul3A_149 : vector<16xf32>
    %max3A_151 = arith.constant 0.000000e+00 : f32
    %max3A_152 = vector.broadcast %max3A_151 : f32 to vector<16xf32>
    %max3A_153 = arith.maximumf %mul3A_150, %max3A_152 : vector<16xf32>
    %min3A_154 = arith.constant 3.100000e+01 : f32
    %min3A_155 = vector.broadcast %min3A_154 : f32 to vector<16xf32>
    %min3A_156 = arith.minimumf %max3A_153, %min3A_155 : vector<16xf32>
    %convert_element_type3A_157 = arith.fptosi %min3A_156 : vector<16xf32> to vector<16xi32>
    %mul3A_158 = arith.constant 32 : i32
    %mul3A_159 = vector.broadcast %mul3A_158 : i32 to vector<16xi32>
    %mul3A_160 = arith.muli %convert_element_type3A_157, %mul3A_159 : vector<16xi32>
    %add3A_161 = arith.addi %mul3A_160, %convert_element_type3A_147 : vector<16xi32>
    %mul3A_162 = arith.constant 1024 : i32
    %mul3A_163 = arith.muli %select_n3A, %mul3A_162 : i32
    %add3A_164 = vector.broadcast %mul3A_163 : i32 to vector<16xi32>
    %add3A_165 = arith.addi %add3A_161, %add3A_164 : vector<16xi32>
    %shift_left3A = arith.constant 7 : i32
    %shift_left3A_166 = vector.broadcast %shift_left3A : i32 to vector<16xi32>
    %shift_left3A_167 = arith.shli %add3A_137, %shift_left3A_166 : vector<16xi32>
    %or3A = arith.ori %shift_left3A_167, %get3A_109 : vector<16xi32>
    %shift_left3A_168 = arith.constant 7 : i32
    %shift_left3A_169 = vector.broadcast %shift_left3A_168 : i32 to vector<16xi32>
    %shift_left3A_170 = arith.shli %add3A_165, %shift_left3A_169 : vector<16xi32>
    %or3A_171 = arith.ori %shift_left3A_170, %get3A_112 : vector<16xi32>
    %eq3A = arith.constant 1 : i32
    %eq3A_172 = arith.cmpi eq, %sub3A_21, %eq3A : i32
    %select_n3A_173 = arith.select %eq3A_172, %add3A_165, %add3A_137 : vector<16xi32>
    %select_n3A_174 = arith.select %eq3A_172, %or3A_171, %or3A : vector<16xi32>
    %select_n3A_175 = arith.select %eq3A_172, %get3A_112, %get3A_109 : vector<16xi32>
    %convert_element_type3A_176 = arith.sitofp %select_n3A_175 : vector<16xi32> to vector<16xf32>
    %select_n3A_177 = arith.select %eq3A_172, %get3A_100, %get3A_97 : vector<16xf32>
    %select_n3A_178 = arith.select %eq3A_172, %get3A_106, %get3A_103 : vector<16xf32>
    %iota3A = tpu.iota {dimensions = array<i32: 0>} : vector<16xi32>
    %broadcast_in_dim3A = arith.constant 1 : i32
    %broadcast_in_dim3A_179 = vector.broadcast %broadcast_in_dim3A : i32 to vector<16xi32>
    %broadcast_in_dim3A_180 = arith.constant 0 : i32
    %broadcast_in_dim3A_181 = vector.broadcast %broadcast_in_dim3A_180 : i32 to vector<16xi32>
    %eq3A_182 = arith.constant 0 : i32
    %eq3A_183 = arith.cmpi eq, %sub3A_21, %eq3A_182 : i32
    %select_n3A_184 = arith.select %eq3A_183, %broadcast_in_dim3A_179, %broadcast_in_dim3A_181 : vector<16xi32>
    %add3A_185 = arith.constant 1 : i32
    %add3A_186 = vector.broadcast %add3A_185 : i32 to vector<16xi32>
    %add3A_187 = arith.addi %iota3A, %add3A_186 : vector<16xi32>
    %and3A_188 = arith.constant 15 : i32
    %and3A_189 = vector.broadcast %and3A_188 : i32 to vector<16xi32>
    %and3A_190 = arith.andi %add3A_187, %and3A_189 : vector<16xi32>
    %reshape3A = vector.shape_cast %and3A_190 : vector<16xi32> to vector<16x1xi32>
    %gather3A = vector.shape_cast %reshape3A : vector<16x1xi32> to vector<16xi32>
    %gather3A_191 = tpu.dynamic_gather %select_n3A_174[%gather3A] in [0] : vector<16xi32>, vector<16xi32> -> vector<16xi32>
    %lt3A = arith.constant 15 : i32
    %lt3A_192 = vector.broadcast %lt3A : i32 to vector<16xi32>
    %lt3A_193 = arith.cmpi slt, %iota3A, %lt3A_192 : vector<16xi32>
    %select_n3A_194 = arith.select %lt3A_193, %broadcast_in_dim3A_179, %broadcast_in_dim3A_181 : vector<16xi1>, vector<16xi32>
    %shift_right_arithmetic3A = arith.constant 7 : i32
    %shift_right_arithmetic3A_195 = vector.broadcast %shift_right_arithmetic3A : i32 to vector<16xi32>
    %shift_right_arithmetic3A_196 = arith.shrsi %gather3A_191, %shift_right_arithmetic3A_195 : vector<16xi32>
    %eq3A_197 = arith.cmpi eq, %shift_right_arithmetic3A_196, %select_n3A_173 : vector<16xi32>
    %select_n3A_198 = arith.select %eq3A_197, %broadcast_in_dim3A_179, %broadcast_in_dim3A_181 : vector<16xi1>, vector<16xi32>
    %and3A_199 = arith.andi %select_n3A_198, %select_n3A_194 : vector<16xi32>
    %or3A_200 = arith.ori %broadcast_in_dim3A_181, %and3A_199 : vector<16xi32>
    %eq3A_201 = arith.cmpi eq, %gather3A_191, %select_n3A_174 : vector<16xi32>
    %select_n3A_202 = arith.select %eq3A_201, %broadcast_in_dim3A_179, %broadcast_in_dim3A_181 : vector<16xi1>, vector<16xi32>
    %and3A_203 = arith.andi %select_n3A_202, %select_n3A_194 : vector<16xi32>
    %or3A_204 = arith.ori %broadcast_in_dim3A_181, %and3A_203 : vector<16xi32>
    %add3A_205 = arith.constant 2 : i32
    %add3A_206 = vector.broadcast %add3A_205 : i32 to vector<16xi32>
    %add3A_207 = arith.addi %iota3A, %add3A_206 : vector<16xi32>
    %and3A_208 = arith.constant 15 : i32
    %and3A_209 = vector.broadcast %and3A_208 : i32 to vector<16xi32>
    %and3A_210 = arith.andi %add3A_207, %and3A_209 : vector<16xi32>
    %reshape3A_211 = vector.shape_cast %and3A_210 : vector<16xi32> to vector<16x1xi32>
    %gather3A_212 = vector.shape_cast %reshape3A_211 : vector<16x1xi32> to vector<16xi32>
    %gather3A_213 = tpu.dynamic_gather %select_n3A_174[%gather3A_212] in [0] : vector<16xi32>, vector<16xi32> -> vector<16xi32>
    %lt3A_214 = arith.constant 14 : i32
    %lt3A_215 = vector.broadcast %lt3A_214 : i32 to vector<16xi32>
    %lt3A_216 = arith.cmpi slt, %iota3A, %lt3A_215 : vector<16xi32>
    %select_n3A_217 = arith.select %lt3A_216, %broadcast_in_dim3A_179, %broadcast_in_dim3A_181 : vector<16xi1>, vector<16xi32>
    %shift_right_arithmetic3A_218 = arith.constant 7 : i32
    %shift_right_arithmetic3A_219 = vector.broadcast %shift_right_arithmetic3A_218 : i32 to vector<16xi32>
    %shift_right_arithmetic3A_220 = arith.shrsi %gather3A_213, %shift_right_arithmetic3A_219 : vector<16xi32>
    %eq3A_221 = arith.cmpi eq, %shift_right_arithmetic3A_220, %select_n3A_173 : vector<16xi32>
    %select_n3A_222 = arith.select %eq3A_221, %broadcast_in_dim3A_179, %broadcast_in_dim3A_181 : vector<16xi1>, vector<16xi32>
    %and3A_223 = arith.andi %select_n3A_222, %select_n3A_217 : vector<16xi32>
    %or3A_224 = arith.ori %or3A_200, %and3A_223 : vector<16xi32>
    %eq3A_225 = arith.cmpi eq, %gather3A_213, %select_n3A_174 : vector<16xi32>
    %select_n3A_226 = arith.select %eq3A_225, %broadcast_in_dim3A_179, %broadcast_in_dim3A_181 : vector<16xi1>, vector<16xi32>
    %and3A_227 = arith.andi %select_n3A_226, %select_n3A_217 : vector<16xi32>
    %or3A_228 = arith.ori %or3A_204, %and3A_227 : vector<16xi32>
    %add3A_229 = arith.constant 3 : i32
    %add3A_230 = vector.broadcast %add3A_229 : i32 to vector<16xi32>
    %add3A_231 = arith.addi %iota3A, %add3A_230 : vector<16xi32>
    %and3A_232 = arith.constant 15 : i32
    %and3A_233 = vector.broadcast %and3A_232 : i32 to vector<16xi32>
    %and3A_234 = arith.andi %add3A_231, %and3A_233 : vector<16xi32>
    %reshape3A_235 = vector.shape_cast %and3A_234 : vector<16xi32> to vector<16x1xi32>
    %gather3A_236 = vector.shape_cast %reshape3A_235 : vector<16x1xi32> to vector<16xi32>
    %gather3A_237 = tpu.dynamic_gather %select_n3A_174[%gather3A_236] in [0] : vector<16xi32>, vector<16xi32> -> vector<16xi32>
    %lt3A_238 = arith.constant 13 : i32
    %lt3A_239 = vector.broadcast %lt3A_238 : i32 to vector<16xi32>
    %lt3A_240 = arith.cmpi slt, %iota3A, %lt3A_239 : vector<16xi32>
    %select_n3A_241 = arith.select %lt3A_240, %broadcast_in_dim3A_179, %broadcast_in_dim3A_181 : vector<16xi1>, vector<16xi32>
    %shift_right_arithmetic3A_242 = arith.constant 7 : i32
    %shift_right_arithmetic3A_243 = vector.broadcast %shift_right_arithmetic3A_242 : i32 to vector<16xi32>
    %shift_right_arithmetic3A_244 = arith.shrsi %gather3A_237, %shift_right_arithmetic3A_243 : vector<16xi32>
    %eq3A_245 = arith.cmpi eq, %shift_right_arithmetic3A_244, %select_n3A_173 : vector<16xi32>
    %select_n3A_246 = arith.select %eq3A_245, %broadcast_in_dim3A_179, %broadcast_in_dim3A_181 : vector<16xi1>, vector<16xi32>
    %and3A_247 = arith.andi %select_n3A_246, %select_n3A_241 : vector<16xi32>
    %or3A_248 = arith.ori %or3A_224, %and3A_247 : vector<16xi32>
    %eq3A_249 = arith.cmpi eq, %gather3A_237, %select_n3A_174 : vector<16xi32>
    %select_n3A_250 = arith.select %eq3A_249, %broadcast_in_dim3A_179, %broadcast_in_dim3A_181 : vector<16xi1>, vector<16xi32>
    %and3A_251 = arith.andi %select_n3A_250, %select_n3A_241 : vector<16xi32>
    %or3A_252 = arith.ori %or3A_228, %and3A_251 : vector<16xi32>
    %add3A_253 = arith.constant 4 : i32
    %add3A_254 = vector.broadcast %add3A_253 : i32 to vector<16xi32>
    %add3A_255 = arith.addi %iota3A, %add3A_254 : vector<16xi32>
    %and3A_256 = arith.constant 15 : i32
    %and3A_257 = vector.broadcast %and3A_256 : i32 to vector<16xi32>
    %and3A_258 = arith.andi %add3A_255, %and3A_257 : vector<16xi32>
    %reshape3A_259 = vector.shape_cast %and3A_258 : vector<16xi32> to vector<16x1xi32>
    %gather3A_260 = vector.shape_cast %reshape3A_259 : vector<16x1xi32> to vector<16xi32>
    %gather3A_261 = tpu.dynamic_gather %select_n3A_174[%gather3A_260] in [0] : vector<16xi32>, vector<16xi32> -> vector<16xi32>
    %lt3A_262 = arith.constant 12 : i32
    %lt3A_263 = vector.broadcast %lt3A_262 : i32 to vector<16xi32>
    %lt3A_264 = arith.cmpi slt, %iota3A, %lt3A_263 : vector<16xi32>
    %select_n3A_265 = arith.select %lt3A_264, %broadcast_in_dim3A_179, %broadcast_in_dim3A_181 : vector<16xi1>, vector<16xi32>
    %shift_right_arithmetic3A_266 = arith.constant 7 : i32
    %shift_right_arithmetic3A_267 = vector.broadcast %shift_right_arithmetic3A_266 : i32 to vector<16xi32>
    %shift_right_arithmetic3A_268 = arith.shrsi %gather3A_261, %shift_right_arithmetic3A_267 : vector<16xi32>
    %eq3A_269 = arith.cmpi eq, %shift_right_arithmetic3A_268, %select_n3A_173 : vector<16xi32>
    %select_n3A_270 = arith.select %eq3A_269, %broadcast_in_dim3A_179, %broadcast_in_dim3A_181 : vector<16xi1>, vector<16xi32>
    %and3A_271 = arith.andi %select_n3A_270, %select_n3A_265 : vector<16xi32>
    %or3A_272 = arith.ori %or3A_248, %and3A_271 : vector<16xi32>
    %eq3A_273 = arith.cmpi eq, %gather3A_261, %select_n3A_174 : vector<16xi32>
    %select_n3A_274 = arith.select %eq3A_273, %broadcast_in_dim3A_179, %broadcast_in_dim3A_181 : vector<16xi1>, vector<16xi32>
    %and3A_275 = arith.andi %select_n3A_274, %select_n3A_265 : vector<16xi32>
    %or3A_276 = arith.ori %or3A_252, %and3A_275 : vector<16xi32>
    %add3A_277 = arith.constant 5 : i32
    %add3A_278 = vector.broadcast %add3A_277 : i32 to vector<16xi32>
    %add3A_279 = arith.addi %iota3A, %add3A_278 : vector<16xi32>
    %and3A_280 = arith.constant 15 : i32
    %and3A_281 = vector.broadcast %and3A_280 : i32 to vector<16xi32>
    %and3A_282 = arith.andi %add3A_279, %and3A_281 : vector<16xi32>
    %reshape3A_283 = vector.shape_cast %and3A_282 : vector<16xi32> to vector<16x1xi32>
    %gather3A_284 = vector.shape_cast %reshape3A_283 : vector<16x1xi32> to vector<16xi32>
    %gather3A_285 = tpu.dynamic_gather %select_n3A_174[%gather3A_284] in [0] : vector<16xi32>, vector<16xi32> -> vector<16xi32>
    %lt3A_286 = arith.constant 11 : i32
    %lt3A_287 = vector.broadcast %lt3A_286 : i32 to vector<16xi32>
    %lt3A_288 = arith.cmpi slt, %iota3A, %lt3A_287 : vector<16xi32>
    %select_n3A_289 = arith.select %lt3A_288, %broadcast_in_dim3A_179, %broadcast_in_dim3A_181 : vector<16xi1>, vector<16xi32>
    %shift_right_arithmetic3A_290 = arith.constant 7 : i32
    %shift_right_arithmetic3A_291 = vector.broadcast %shift_right_arithmetic3A_290 : i32 to vector<16xi32>
    %shift_right_arithmetic3A_292 = arith.shrsi %gather3A_285, %shift_right_arithmetic3A_291 : vector<16xi32>
    %eq3A_293 = arith.cmpi eq, %shift_right_arithmetic3A_292, %select_n3A_173 : vector<16xi32>
    %select_n3A_294 = arith.select %eq3A_293, %broadcast_in_dim3A_179, %broadcast_in_dim3A_181 : vector<16xi1>, vector<16xi32>
    %and3A_295 = arith.andi %select_n3A_294, %select_n3A_289 : vector<16xi32>
    %or3A_296 = arith.ori %or3A_272, %and3A_295 : vector<16xi32>
    %eq3A_297 = arith.cmpi eq, %gather3A_285, %select_n3A_174 : vector<16xi32>
    %select_n3A_298 = arith.select %eq3A_297, %broadcast_in_dim3A_179, %broadcast_in_dim3A_181 : vector<16xi1>, vector<16xi32>
    %and3A_299 = arith.andi %select_n3A_298, %select_n3A_289 : vector<16xi32>
    %or3A_300 = arith.ori %or3A_276, %and3A_299 : vector<16xi32>
    %add3A_301 = arith.constant 6 : i32
    %add3A_302 = vector.broadcast %add3A_301 : i32 to vector<16xi32>
    %add3A_303 = arith.addi %iota3A, %add3A_302 : vector<16xi32>
    %and3A_304 = arith.constant 15 : i32
    %and3A_305 = vector.broadcast %and3A_304 : i32 to vector<16xi32>
    %and3A_306 = arith.andi %add3A_303, %and3A_305 : vector<16xi32>
    %reshape3A_307 = vector.shape_cast %and3A_306 : vector<16xi32> to vector<16x1xi32>
    %gather3A_308 = vector.shape_cast %reshape3A_307 : vector<16x1xi32> to vector<16xi32>
    %gather3A_309 = tpu.dynamic_gather %select_n3A_174[%gather3A_308] in [0] : vector<16xi32>, vector<16xi32> -> vector<16xi32>
    %lt3A_310 = arith.constant 10 : i32
    %lt3A_311 = vector.broadcast %lt3A_310 : i32 to vector<16xi32>
    %lt3A_312 = arith.cmpi slt, %iota3A, %lt3A_311 : vector<16xi32>
    %select_n3A_313 = arith.select %lt3A_312, %broadcast_in_dim3A_179, %broadcast_in_dim3A_181 : vector<16xi1>, vector<16xi32>
    %shift_right_arithmetic3A_314 = arith.constant 7 : i32
    %shift_right_arithmetic3A_315 = vector.broadcast %shift_right_arithmetic3A_314 : i32 to vector<16xi32>
    %shift_right_arithmetic3A_316 = arith.shrsi %gather3A_309, %shift_right_arithmetic3A_315 : vector<16xi32>
    %eq3A_317 = arith.cmpi eq, %shift_right_arithmetic3A_316, %select_n3A_173 : vector<16xi32>
    %select_n3A_318 = arith.select %eq3A_317, %broadcast_in_dim3A_179, %broadcast_in_dim3A_181 : vector<16xi1>, vector<16xi32>
    %and3A_319 = arith.andi %select_n3A_318, %select_n3A_313 : vector<16xi32>
    %or3A_320 = arith.ori %or3A_296, %and3A_319 : vector<16xi32>
    %eq3A_321 = arith.cmpi eq, %gather3A_309, %select_n3A_174 : vector<16xi32>
    %select_n3A_322 = arith.select %eq3A_321, %broadcast_in_dim3A_179, %broadcast_in_dim3A_181 : vector<16xi1>, vector<16xi32>
    %and3A_323 = arith.andi %select_n3A_322, %select_n3A_313 : vector<16xi32>
    %or3A_324 = arith.ori %or3A_300, %and3A_323 : vector<16xi32>
    %add3A_325 = arith.constant 7 : i32
    %add3A_326 = vector.broadcast %add3A_325 : i32 to vector<16xi32>
    %add3A_327 = arith.addi %iota3A, %add3A_326 : vector<16xi32>
    %and3A_328 = arith.constant 15 : i32
    %and3A_329 = vector.broadcast %and3A_328 : i32 to vector<16xi32>
    %and3A_330 = arith.andi %add3A_327, %and3A_329 : vector<16xi32>
    %reshape3A_331 = vector.shape_cast %and3A_330 : vector<16xi32> to vector<16x1xi32>
    %gather3A_332 = vector.shape_cast %reshape3A_331 : vector<16x1xi32> to vector<16xi32>
    %gather3A_333 = tpu.dynamic_gather %select_n3A_174[%gather3A_332] in [0] : vector<16xi32>, vector<16xi32> -> vector<16xi32>
    %lt3A_334 = arith.constant 9 : i32
    %lt3A_335 = vector.broadcast %lt3A_334 : i32 to vector<16xi32>
    %lt3A_336 = arith.cmpi slt, %iota3A, %lt3A_335 : vector<16xi32>
    %select_n3A_337 = arith.select %lt3A_336, %broadcast_in_dim3A_179, %broadcast_in_dim3A_181 : vector<16xi1>, vector<16xi32>
    %shift_right_arithmetic3A_338 = arith.constant 7 : i32
    %shift_right_arithmetic3A_339 = vector.broadcast %shift_right_arithmetic3A_338 : i32 to vector<16xi32>
    %shift_right_arithmetic3A_340 = arith.shrsi %gather3A_333, %shift_right_arithmetic3A_339 : vector<16xi32>
    %eq3A_341 = arith.cmpi eq, %shift_right_arithmetic3A_340, %select_n3A_173 : vector<16xi32>
    %select_n3A_342 = arith.select %eq3A_341, %broadcast_in_dim3A_179, %broadcast_in_dim3A_181 : vector<16xi1>, vector<16xi32>
    %and3A_343 = arith.andi %select_n3A_342, %select_n3A_337 : vector<16xi32>
    %or3A_344 = arith.ori %or3A_320, %and3A_343 : vector<16xi32>
    %eq3A_345 = arith.cmpi eq, %gather3A_333, %select_n3A_174 : vector<16xi32>
    %select_n3A_346 = arith.select %eq3A_345, %broadcast_in_dim3A_179, %broadcast_in_dim3A_181 : vector<16xi1>, vector<16xi32>
    %and3A_347 = arith.andi %select_n3A_346, %select_n3A_337 : vector<16xi32>
    %or3A_348 = arith.ori %or3A_324, %and3A_347 : vector<16xi32>
    %add3A_349 = arith.constant 8 : i32
    %add3A_350 = vector.broadcast %add3A_349 : i32 to vector<16xi32>
    %add3A_351 = arith.addi %iota3A, %add3A_350 : vector<16xi32>
    %and3A_352 = arith.constant 15 : i32
    %and3A_353 = vector.broadcast %and3A_352 : i32 to vector<16xi32>
    %and3A_354 = arith.andi %add3A_351, %and3A_353 : vector<16xi32>
    %reshape3A_355 = vector.shape_cast %and3A_354 : vector<16xi32> to vector<16x1xi32>
    %gather3A_356 = vector.shape_cast %reshape3A_355 : vector<16x1xi32> to vector<16xi32>
    %gather3A_357 = tpu.dynamic_gather %select_n3A_174[%gather3A_356] in [0] : vector<16xi32>, vector<16xi32> -> vector<16xi32>
    %lt3A_358 = arith.constant 8 : i32
    %lt3A_359 = vector.broadcast %lt3A_358 : i32 to vector<16xi32>
    %lt3A_360 = arith.cmpi slt, %iota3A, %lt3A_359 : vector<16xi32>
    %select_n3A_361 = arith.select %lt3A_360, %broadcast_in_dim3A_179, %broadcast_in_dim3A_181 : vector<16xi1>, vector<16xi32>
    %shift_right_arithmetic3A_362 = arith.constant 7 : i32
    %shift_right_arithmetic3A_363 = vector.broadcast %shift_right_arithmetic3A_362 : i32 to vector<16xi32>
    %shift_right_arithmetic3A_364 = arith.shrsi %gather3A_357, %shift_right_arithmetic3A_363 : vector<16xi32>
    %eq3A_365 = arith.cmpi eq, %shift_right_arithmetic3A_364, %select_n3A_173 : vector<16xi32>
    %select_n3A_366 = arith.select %eq3A_365, %broadcast_in_dim3A_179, %broadcast_in_dim3A_181 : vector<16xi1>, vector<16xi32>
    %and3A_367 = arith.andi %select_n3A_366, %select_n3A_361 : vector<16xi32>
    %or3A_368 = arith.ori %or3A_344, %and3A_367 : vector<16xi32>
    %eq3A_369 = arith.cmpi eq, %gather3A_357, %select_n3A_174 : vector<16xi32>
    %select_n3A_370 = arith.select %eq3A_369, %broadcast_in_dim3A_179, %broadcast_in_dim3A_181 : vector<16xi1>, vector<16xi32>
    %and3A_371 = arith.andi %select_n3A_370, %select_n3A_361 : vector<16xi32>
    %or3A_372 = arith.ori %or3A_348, %and3A_371 : vector<16xi32>
    %add3A_373 = arith.constant 9 : i32
    %add3A_374 = vector.broadcast %add3A_373 : i32 to vector<16xi32>
    %add3A_375 = arith.addi %iota3A, %add3A_374 : vector<16xi32>
    %and3A_376 = arith.constant 15 : i32
    %and3A_377 = vector.broadcast %and3A_376 : i32 to vector<16xi32>
    %and3A_378 = arith.andi %add3A_375, %and3A_377 : vector<16xi32>
    %reshape3A_379 = vector.shape_cast %and3A_378 : vector<16xi32> to vector<16x1xi32>
    %gather3A_380 = vector.shape_cast %reshape3A_379 : vector<16x1xi32> to vector<16xi32>
    %gather3A_381 = tpu.dynamic_gather %select_n3A_174[%gather3A_380] in [0] : vector<16xi32>, vector<16xi32> -> vector<16xi32>
    %lt3A_382 = arith.constant 7 : i32
    %lt3A_383 = vector.broadcast %lt3A_382 : i32 to vector<16xi32>
    %lt3A_384 = arith.cmpi slt, %iota3A, %lt3A_383 : vector<16xi32>
    %select_n3A_385 = arith.select %lt3A_384, %broadcast_in_dim3A_179, %broadcast_in_dim3A_181 : vector<16xi1>, vector<16xi32>
    %shift_right_arithmetic3A_386 = arith.constant 7 : i32
    %shift_right_arithmetic3A_387 = vector.broadcast %shift_right_arithmetic3A_386 : i32 to vector<16xi32>
    %shift_right_arithmetic3A_388 = arith.shrsi %gather3A_381, %shift_right_arithmetic3A_387 : vector<16xi32>
    %eq3A_389 = arith.cmpi eq, %shift_right_arithmetic3A_388, %select_n3A_173 : vector<16xi32>
    %select_n3A_390 = arith.select %eq3A_389, %broadcast_in_dim3A_179, %broadcast_in_dim3A_181 : vector<16xi1>, vector<16xi32>
    %and3A_391 = arith.andi %select_n3A_390, %select_n3A_385 : vector<16xi32>
    %or3A_392 = arith.ori %or3A_368, %and3A_391 : vector<16xi32>
    %eq3A_393 = arith.cmpi eq, %gather3A_381, %select_n3A_174 : vector<16xi32>
    %select_n3A_394 = arith.select %eq3A_393, %broadcast_in_dim3A_179, %broadcast_in_dim3A_181 : vector<16xi1>, vector<16xi32>
    %and3A_395 = arith.andi %select_n3A_394, %select_n3A_385 : vector<16xi32>
    %or3A_396 = arith.ori %or3A_372, %and3A_395 : vector<16xi32>
    %add3A_397 = arith.constant 10 : i32
    %add3A_398 = vector.broadcast %add3A_397 : i32 to vector<16xi32>
    %add3A_399 = arith.addi %iota3A, %add3A_398 : vector<16xi32>
    %and3A_400 = arith.constant 15 : i32
    %and3A_401 = vector.broadcast %and3A_400 : i32 to vector<16xi32>
    %and3A_402 = arith.andi %add3A_399, %and3A_401 : vector<16xi32>
    %reshape3A_403 = vector.shape_cast %and3A_402 : vector<16xi32> to vector<16x1xi32>
    %gather3A_404 = vector.shape_cast %reshape3A_403 : vector<16x1xi32> to vector<16xi32>
    %gather3A_405 = tpu.dynamic_gather %select_n3A_174[%gather3A_404] in [0] : vector<16xi32>, vector<16xi32> -> vector<16xi32>
    %lt3A_406 = arith.constant 6 : i32
    %lt3A_407 = vector.broadcast %lt3A_406 : i32 to vector<16xi32>
    %lt3A_408 = arith.cmpi slt, %iota3A, %lt3A_407 : vector<16xi32>
    %select_n3A_409 = arith.select %lt3A_408, %broadcast_in_dim3A_179, %broadcast_in_dim3A_181 : vector<16xi1>, vector<16xi32>
    %shift_right_arithmetic3A_410 = arith.constant 7 : i32
    %shift_right_arithmetic3A_411 = vector.broadcast %shift_right_arithmetic3A_410 : i32 to vector<16xi32>
    %shift_right_arithmetic3A_412 = arith.shrsi %gather3A_405, %shift_right_arithmetic3A_411 : vector<16xi32>
    %eq3A_413 = arith.cmpi eq, %shift_right_arithmetic3A_412, %select_n3A_173 : vector<16xi32>
    %select_n3A_414 = arith.select %eq3A_413, %broadcast_in_dim3A_179, %broadcast_in_dim3A_181 : vector<16xi1>, vector<16xi32>
    %and3A_415 = arith.andi %select_n3A_414, %select_n3A_409 : vector<16xi32>
    %or3A_416 = arith.ori %or3A_392, %and3A_415 : vector<16xi32>
    %eq3A_417 = arith.cmpi eq, %gather3A_405, %select_n3A_174 : vector<16xi32>
    %select_n3A_418 = arith.select %eq3A_417, %broadcast_in_dim3A_179, %broadcast_in_dim3A_181 : vector<16xi1>, vector<16xi32>
    %and3A_419 = arith.andi %select_n3A_418, %select_n3A_409 : vector<16xi32>
    %or3A_420 = arith.ori %or3A_396, %and3A_419 : vector<16xi32>
    %add3A_421 = arith.constant 11 : i32
    %add3A_422 = vector.broadcast %add3A_421 : i32 to vector<16xi32>
    %add3A_423 = arith.addi %iota3A, %add3A_422 : vector<16xi32>
    %and3A_424 = arith.constant 15 : i32
    %and3A_425 = vector.broadcast %and3A_424 : i32 to vector<16xi32>
    %and3A_426 = arith.andi %add3A_423, %and3A_425 : vector<16xi32>
    %reshape3A_427 = vector.shape_cast %and3A_426 : vector<16xi32> to vector<16x1xi32>
    %gather3A_428 = vector.shape_cast %reshape3A_427 : vector<16x1xi32> to vector<16xi32>
    %gather3A_429 = tpu.dynamic_gather %select_n3A_174[%gather3A_428] in [0] : vector<16xi32>, vector<16xi32> -> vector<16xi32>
    %lt3A_430 = arith.constant 5 : i32
    %lt3A_431 = vector.broadcast %lt3A_430 : i32 to vector<16xi32>
    %lt3A_432 = arith.cmpi slt, %iota3A, %lt3A_431 : vector<16xi32>
    %select_n3A_433 = arith.select %lt3A_432, %broadcast_in_dim3A_179, %broadcast_in_dim3A_181 : vector<16xi1>, vector<16xi32>
    %shift_right_arithmetic3A_434 = arith.constant 7 : i32
    %shift_right_arithmetic3A_435 = vector.broadcast %shift_right_arithmetic3A_434 : i32 to vector<16xi32>
    %shift_right_arithmetic3A_436 = arith.shrsi %gather3A_429, %shift_right_arithmetic3A_435 : vector<16xi32>
    %eq3A_437 = arith.cmpi eq, %shift_right_arithmetic3A_436, %select_n3A_173 : vector<16xi32>
    %select_n3A_438 = arith.select %eq3A_437, %broadcast_in_dim3A_179, %broadcast_in_dim3A_181 : vector<16xi1>, vector<16xi32>
    %and3A_439 = arith.andi %select_n3A_438, %select_n3A_433 : vector<16xi32>
    %or3A_440 = arith.ori %or3A_416, %and3A_439 : vector<16xi32>
    %eq3A_441 = arith.cmpi eq, %gather3A_429, %select_n3A_174 : vector<16xi32>
    %select_n3A_442 = arith.select %eq3A_441, %broadcast_in_dim3A_179, %broadcast_in_dim3A_181 : vector<16xi1>, vector<16xi32>
    %and3A_443 = arith.andi %select_n3A_442, %select_n3A_433 : vector<16xi32>
    %or3A_444 = arith.ori %or3A_420, %and3A_443 : vector<16xi32>
    %add3A_445 = arith.constant 12 : i32
    %add3A_446 = vector.broadcast %add3A_445 : i32 to vector<16xi32>
    %add3A_447 = arith.addi %iota3A, %add3A_446 : vector<16xi32>
    %and3A_448 = arith.constant 15 : i32
    %and3A_449 = vector.broadcast %and3A_448 : i32 to vector<16xi32>
    %and3A_450 = arith.andi %add3A_447, %and3A_449 : vector<16xi32>
    %reshape3A_451 = vector.shape_cast %and3A_450 : vector<16xi32> to vector<16x1xi32>
    %gather3A_452 = vector.shape_cast %reshape3A_451 : vector<16x1xi32> to vector<16xi32>
    %gather3A_453 = tpu.dynamic_gather %select_n3A_174[%gather3A_452] in [0] : vector<16xi32>, vector<16xi32> -> vector<16xi32>
    %lt3A_454 = arith.constant 4 : i32
    %lt3A_455 = vector.broadcast %lt3A_454 : i32 to vector<16xi32>
    %lt3A_456 = arith.cmpi slt, %iota3A, %lt3A_455 : vector<16xi32>
    %select_n3A_457 = arith.select %lt3A_456, %broadcast_in_dim3A_179, %broadcast_in_dim3A_181 : vector<16xi1>, vector<16xi32>
    %shift_right_arithmetic3A_458 = arith.constant 7 : i32
    %shift_right_arithmetic3A_459 = vector.broadcast %shift_right_arithmetic3A_458 : i32 to vector<16xi32>
    %shift_right_arithmetic3A_460 = arith.shrsi %gather3A_453, %shift_right_arithmetic3A_459 : vector<16xi32>
    %eq3A_461 = arith.cmpi eq, %shift_right_arithmetic3A_460, %select_n3A_173 : vector<16xi32>
    %select_n3A_462 = arith.select %eq3A_461, %broadcast_in_dim3A_179, %broadcast_in_dim3A_181 : vector<16xi1>, vector<16xi32>
    %and3A_463 = arith.andi %select_n3A_462, %select_n3A_457 : vector<16xi32>
    %or3A_464 = arith.ori %or3A_440, %and3A_463 : vector<16xi32>
    %eq3A_465 = arith.cmpi eq, %gather3A_453, %select_n3A_174 : vector<16xi32>
    %select_n3A_466 = arith.select %eq3A_465, %broadcast_in_dim3A_179, %broadcast_in_dim3A_181 : vector<16xi1>, vector<16xi32>
    %and3A_467 = arith.andi %select_n3A_466, %select_n3A_457 : vector<16xi32>
    %or3A_468 = arith.ori %or3A_444, %and3A_467 : vector<16xi32>
    %add3A_469 = arith.constant 13 : i32
    %add3A_470 = vector.broadcast %add3A_469 : i32 to vector<16xi32>
    %add3A_471 = arith.addi %iota3A, %add3A_470 : vector<16xi32>
    %and3A_472 = arith.constant 15 : i32
    %and3A_473 = vector.broadcast %and3A_472 : i32 to vector<16xi32>
    %and3A_474 = arith.andi %add3A_471, %and3A_473 : vector<16xi32>
    %reshape3A_475 = vector.shape_cast %and3A_474 : vector<16xi32> to vector<16x1xi32>
    %gather3A_476 = vector.shape_cast %reshape3A_475 : vector<16x1xi32> to vector<16xi32>
    %gather3A_477 = tpu.dynamic_gather %select_n3A_174[%gather3A_476] in [0] : vector<16xi32>, vector<16xi32> -> vector<16xi32>
    %lt3A_478 = arith.constant 3 : i32
    %lt3A_479 = vector.broadcast %lt3A_478 : i32 to vector<16xi32>
    %lt3A_480 = arith.cmpi slt, %iota3A, %lt3A_479 : vector<16xi32>
    %select_n3A_481 = arith.select %lt3A_480, %broadcast_in_dim3A_179, %broadcast_in_dim3A_181 : vector<16xi1>, vector<16xi32>
    %shift_right_arithmetic3A_482 = arith.constant 7 : i32
    %shift_right_arithmetic3A_483 = vector.broadcast %shift_right_arithmetic3A_482 : i32 to vector<16xi32>
    %shift_right_arithmetic3A_484 = arith.shrsi %gather3A_477, %shift_right_arithmetic3A_483 : vector<16xi32>
    %eq3A_485 = arith.cmpi eq, %shift_right_arithmetic3A_484, %select_n3A_173 : vector<16xi32>
    %select_n3A_486 = arith.select %eq3A_485, %broadcast_in_dim3A_179, %broadcast_in_dim3A_181 : vector<16xi1>, vector<16xi32>
    %and3A_487 = arith.andi %select_n3A_486, %select_n3A_481 : vector<16xi32>
    %or3A_488 = arith.ori %or3A_464, %and3A_487 : vector<16xi32>
    %eq3A_489 = arith.cmpi eq, %gather3A_477, %select_n3A_174 : vector<16xi32>
    %select_n3A_490 = arith.select %eq3A_489, %broadcast_in_dim3A_179, %broadcast_in_dim3A_181 : vector<16xi1>, vector<16xi32>
    %and3A_491 = arith.andi %select_n3A_490, %select_n3A_481 : vector<16xi32>
    %or3A_492 = arith.ori %or3A_468, %and3A_491 : vector<16xi32>
    %add3A_493 = arith.constant 14 : i32
    %add3A_494 = vector.broadcast %add3A_493 : i32 to vector<16xi32>
    %add3A_495 = arith.addi %iota3A, %add3A_494 : vector<16xi32>
    %and3A_496 = arith.constant 15 : i32
    %and3A_497 = vector.broadcast %and3A_496 : i32 to vector<16xi32>
    %and3A_498 = arith.andi %add3A_495, %and3A_497 : vector<16xi32>
    %reshape3A_499 = vector.shape_cast %and3A_498 : vector<16xi32> to vector<16x1xi32>
    %gather3A_500 = vector.shape_cast %reshape3A_499 : vector<16x1xi32> to vector<16xi32>
    %gather3A_501 = tpu.dynamic_gather %select_n3A_174[%gather3A_500] in [0] : vector<16xi32>, vector<16xi32> -> vector<16xi32>
    %lt3A_502 = arith.constant 2 : i32
    %lt3A_503 = vector.broadcast %lt3A_502 : i32 to vector<16xi32>
    %lt3A_504 = arith.cmpi slt, %iota3A, %lt3A_503 : vector<16xi32>
    %select_n3A_505 = arith.select %lt3A_504, %broadcast_in_dim3A_179, %broadcast_in_dim3A_181 : vector<16xi1>, vector<16xi32>
    %shift_right_arithmetic3A_506 = arith.constant 7 : i32
    %shift_right_arithmetic3A_507 = vector.broadcast %shift_right_arithmetic3A_506 : i32 to vector<16xi32>
    %shift_right_arithmetic3A_508 = arith.shrsi %gather3A_501, %shift_right_arithmetic3A_507 : vector<16xi32>
    %eq3A_509 = arith.cmpi eq, %shift_right_arithmetic3A_508, %select_n3A_173 : vector<16xi32>
    %select_n3A_510 = arith.select %eq3A_509, %broadcast_in_dim3A_179, %broadcast_in_dim3A_181 : vector<16xi1>, vector<16xi32>
    %and3A_511 = arith.andi %select_n3A_510, %select_n3A_505 : vector<16xi32>
    %or3A_512 = arith.ori %or3A_488, %and3A_511 : vector<16xi32>
    %eq3A_513 = arith.cmpi eq, %gather3A_501, %select_n3A_174 : vector<16xi32>
    %select_n3A_514 = arith.select %eq3A_513, %broadcast_in_dim3A_179, %broadcast_in_dim3A_181 : vector<16xi1>, vector<16xi32>
    %and3A_515 = arith.andi %select_n3A_514, %select_n3A_505 : vector<16xi32>
    %or3A_516 = arith.ori %or3A_492, %and3A_515 : vector<16xi32>
    %add3A_517 = arith.constant 15 : i32
    %add3A_518 = vector.broadcast %add3A_517 : i32 to vector<16xi32>
    %add3A_519 = arith.addi %iota3A, %add3A_518 : vector<16xi32>
    %and3A_520 = arith.constant 15 : i32
    %and3A_521 = vector.broadcast %and3A_520 : i32 to vector<16xi32>
    %and3A_522 = arith.andi %add3A_519, %and3A_521 : vector<16xi32>
    %reshape3A_523 = vector.shape_cast %and3A_522 : vector<16xi32> to vector<16x1xi32>
    %gather3A_524 = vector.shape_cast %reshape3A_523 : vector<16x1xi32> to vector<16xi32>
    %gather3A_525 = tpu.dynamic_gather %select_n3A_174[%gather3A_524] in [0] : vector<16xi32>, vector<16xi32> -> vector<16xi32>
    %lt3A_526 = arith.constant 1 : i32
    %lt3A_527 = vector.broadcast %lt3A_526 : i32 to vector<16xi32>
    %lt3A_528 = arith.cmpi slt, %iota3A, %lt3A_527 : vector<16xi32>
    %select_n3A_529 = arith.select %lt3A_528, %broadcast_in_dim3A_179, %broadcast_in_dim3A_181 : vector<16xi1>, vector<16xi32>
    %shift_right_arithmetic3A_530 = arith.constant 7 : i32
    %shift_right_arithmetic3A_531 = vector.broadcast %shift_right_arithmetic3A_530 : i32 to vector<16xi32>
    %shift_right_arithmetic3A_532 = arith.shrsi %gather3A_525, %shift_right_arithmetic3A_531 : vector<16xi32>
    %eq3A_533 = arith.cmpi eq, %shift_right_arithmetic3A_532, %select_n3A_173 : vector<16xi32>
    %select_n3A_534 = arith.select %eq3A_533, %broadcast_in_dim3A_179, %broadcast_in_dim3A_181 : vector<16xi1>, vector<16xi32>
    %and3A_535 = arith.andi %select_n3A_534, %select_n3A_529 : vector<16xi32>
    %or3A_536 = arith.ori %or3A_512, %and3A_535 : vector<16xi32>
    %eq3A_537 = arith.cmpi eq, %gather3A_525, %select_n3A_174 : vector<16xi32>
    %select_n3A_538 = arith.select %eq3A_537, %broadcast_in_dim3A_179, %broadcast_in_dim3A_181 : vector<16xi1>, vector<16xi32>
    %and3A_539 = arith.andi %select_n3A_538, %select_n3A_529 : vector<16xi32>
    %or3A_540 = arith.ori %or3A_516, %and3A_539 : vector<16xi32>
    %add3A_541 = arith.constant 0 : i32
    %add3A_542 = vector.broadcast %add3A_541 : i32 to vector<16xi32>
    %add3A_543 = arith.addi %iota3A, %add3A_542 : vector<16xi32>
    %and3A_544 = arith.constant 15 : i32
    %and3A_545 = vector.broadcast %and3A_544 : i32 to vector<16xi32>
    %and3A_546 = arith.andi %add3A_543, %and3A_545 : vector<16xi32>
    %reshape3A_547 = vector.shape_cast %and3A_546 : vector<16xi32> to vector<16x1xi32>
    %gather3A_548 = vector.shape_cast %reshape3A_547 : vector<16x1xi32> to vector<16xi32>
    %gather3A_549 = tpu.dynamic_gather %or3A_171[%gather3A_548] in [0] : vector<16xi32>, vector<16xi32> -> vector<16xi32>
    %shift_right_arithmetic3A_550 = arith.constant 7 : i32
    %shift_right_arithmetic3A_551 = vector.broadcast %shift_right_arithmetic3A_550 : i32 to vector<16xi32>
    %shift_right_arithmetic3A_552 = arith.shrsi %gather3A_549, %shift_right_arithmetic3A_551 : vector<16xi32>
    %eq3A_553 = arith.cmpi eq, %shift_right_arithmetic3A_552, %select_n3A_173 : vector<16xi32>
    %select_n3A_554 = arith.select %eq3A_553, %broadcast_in_dim3A_179, %broadcast_in_dim3A_181 : vector<16xi1>, vector<16xi32>
    %and3A_555 = arith.andi %select_n3A_554, %select_n3A_184 : vector<16xi32>
    %or3A_556 = arith.ori %or3A_536, %and3A_555 : vector<16xi32>
    %eq3A_557 = arith.cmpi eq, %gather3A_549, %select_n3A_174 : vector<16xi32>
    %select_n3A_558 = arith.select %eq3A_557, %broadcast_in_dim3A_179, %broadcast_in_dim3A_181 : vector<16xi1>, vector<16xi32>
    %and3A_559 = arith.andi %select_n3A_558, %select_n3A_184 : vector<16xi32>
    %or3A_560 = arith.ori %or3A_540, %and3A_559 : vector<16xi32>
    %add3A_561 = arith.constant 1 : i32
    %add3A_562 = vector.broadcast %add3A_561 : i32 to vector<16xi32>
    %add3A_563 = arith.addi %iota3A, %add3A_562 : vector<16xi32>
    %and3A_564 = arith.constant 15 : i32
    %and3A_565 = vector.broadcast %and3A_564 : i32 to vector<16xi32>
    %and3A_566 = arith.andi %add3A_563, %and3A_565 : vector<16xi32>
    %reshape3A_567 = vector.shape_cast %and3A_566 : vector<16xi32> to vector<16x1xi32>
    %gather3A_568 = vector.shape_cast %reshape3A_567 : vector<16x1xi32> to vector<16xi32>
    %gather3A_569 = tpu.dynamic_gather %or3A_171[%gather3A_568] in [0] : vector<16xi32>, vector<16xi32> -> vector<16xi32>
    %shift_right_arithmetic3A_570 = arith.constant 7 : i32
    %shift_right_arithmetic3A_571 = vector.broadcast %shift_right_arithmetic3A_570 : i32 to vector<16xi32>
    %shift_right_arithmetic3A_572 = arith.shrsi %gather3A_569, %shift_right_arithmetic3A_571 : vector<16xi32>
    %eq3A_573 = arith.cmpi eq, %shift_right_arithmetic3A_572, %select_n3A_173 : vector<16xi32>
    %select_n3A_574 = arith.select %eq3A_573, %broadcast_in_dim3A_179, %broadcast_in_dim3A_181 : vector<16xi1>, vector<16xi32>
    %and3A_575 = arith.andi %select_n3A_574, %select_n3A_184 : vector<16xi32>
    %or3A_576 = arith.ori %or3A_556, %and3A_575 : vector<16xi32>
    %eq3A_577 = arith.cmpi eq, %gather3A_569, %select_n3A_174 : vector<16xi32>
    %select_n3A_578 = arith.select %eq3A_577, %broadcast_in_dim3A_179, %broadcast_in_dim3A_181 : vector<16xi1>, vector<16xi32>
    %and3A_579 = arith.andi %select_n3A_578, %select_n3A_184 : vector<16xi32>
    %or3A_580 = arith.ori %or3A_560, %and3A_579 : vector<16xi32>
    %add3A_581 = arith.constant 2 : i32
    %add3A_582 = vector.broadcast %add3A_581 : i32 to vector<16xi32>
    %add3A_583 = arith.addi %iota3A, %add3A_582 : vector<16xi32>
    %and3A_584 = arith.constant 15 : i32
    %and3A_585 = vector.broadcast %and3A_584 : i32 to vector<16xi32>
    %and3A_586 = arith.andi %add3A_583, %and3A_585 : vector<16xi32>
    %reshape3A_587 = vector.shape_cast %and3A_586 : vector<16xi32> to vector<16x1xi32>
    %gather3A_588 = vector.shape_cast %reshape3A_587 : vector<16x1xi32> to vector<16xi32>
    %gather3A_589 = tpu.dynamic_gather %or3A_171[%gather3A_588] in [0] : vector<16xi32>, vector<16xi32> -> vector<16xi32>
    %shift_right_arithmetic3A_590 = arith.constant 7 : i32
    %shift_right_arithmetic3A_591 = vector.broadcast %shift_right_arithmetic3A_590 : i32 to vector<16xi32>
    %shift_right_arithmetic3A_592 = arith.shrsi %gather3A_589, %shift_right_arithmetic3A_591 : vector<16xi32>
    %eq3A_593 = arith.cmpi eq, %shift_right_arithmetic3A_592, %select_n3A_173 : vector<16xi32>
    %select_n3A_594 = arith.select %eq3A_593, %broadcast_in_dim3A_179, %broadcast_in_dim3A_181 : vector<16xi1>, vector<16xi32>
    %and3A_595 = arith.andi %select_n3A_594, %select_n3A_184 : vector<16xi32>
    %or3A_596 = arith.ori %or3A_576, %and3A_595 : vector<16xi32>
    %eq3A_597 = arith.cmpi eq, %gather3A_589, %select_n3A_174 : vector<16xi32>
    %select_n3A_598 = arith.select %eq3A_597, %broadcast_in_dim3A_179, %broadcast_in_dim3A_181 : vector<16xi1>, vector<16xi32>
    %and3A_599 = arith.andi %select_n3A_598, %select_n3A_184 : vector<16xi32>
    %or3A_600 = arith.ori %or3A_580, %and3A_599 : vector<16xi32>
    %add3A_601 = arith.constant 3 : i32
    %add3A_602 = vector.broadcast %add3A_601 : i32 to vector<16xi32>
    %add3A_603 = arith.addi %iota3A, %add3A_602 : vector<16xi32>
    %and3A_604 = arith.constant 15 : i32
    %and3A_605 = vector.broadcast %and3A_604 : i32 to vector<16xi32>
    %and3A_606 = arith.andi %add3A_603, %and3A_605 : vector<16xi32>
    %reshape3A_607 = vector.shape_cast %and3A_606 : vector<16xi32> to vector<16x1xi32>
    %gather3A_608 = vector.shape_cast %reshape3A_607 : vector<16x1xi32> to vector<16xi32>
    %gather3A_609 = tpu.dynamic_gather %or3A_171[%gather3A_608] in [0] : vector<16xi32>, vector<16xi32> -> vector<16xi32>
    %shift_right_arithmetic3A_610 = arith.constant 7 : i32
    %shift_right_arithmetic3A_611 = vector.broadcast %shift_right_arithmetic3A_610 : i32 to vector<16xi32>
    %shift_right_arithmetic3A_612 = arith.shrsi %gather3A_609, %shift_right_arithmetic3A_611 : vector<16xi32>
    %eq3A_613 = arith.cmpi eq, %shift_right_arithmetic3A_612, %select_n3A_173 : vector<16xi32>
    %select_n3A_614 = arith.select %eq3A_613, %broadcast_in_dim3A_179, %broadcast_in_dim3A_181 : vector<16xi1>, vector<16xi32>
    %and3A_615 = arith.andi %select_n3A_614, %select_n3A_184 : vector<16xi32>
    %or3A_616 = arith.ori %or3A_596, %and3A_615 : vector<16xi32>
    %eq3A_617 = arith.cmpi eq, %gather3A_609, %select_n3A_174 : vector<16xi32>
    %select_n3A_618 = arith.select %eq3A_617, %broadcast_in_dim3A_179, %broadcast_in_dim3A_181 : vector<16xi1>, vector<16xi32>
    %and3A_619 = arith.andi %select_n3A_618, %select_n3A_184 : vector<16xi32>
    %or3A_620 = arith.ori %or3A_600, %and3A_619 : vector<16xi32>
    %add3A_621 = arith.constant 4 : i32
    %add3A_622 = vector.broadcast %add3A_621 : i32 to vector<16xi32>
    %add3A_623 = arith.addi %iota3A, %add3A_622 : vector<16xi32>
    %and3A_624 = arith.constant 15 : i32
    %and3A_625 = vector.broadcast %and3A_624 : i32 to vector<16xi32>
    %and3A_626 = arith.andi %add3A_623, %and3A_625 : vector<16xi32>
    %reshape3A_627 = vector.shape_cast %and3A_626 : vector<16xi32> to vector<16x1xi32>
    %gather3A_628 = vector.shape_cast %reshape3A_627 : vector<16x1xi32> to vector<16xi32>
    %gather3A_629 = tpu.dynamic_gather %or3A_171[%gather3A_628] in [0] : vector<16xi32>, vector<16xi32> -> vector<16xi32>
    %shift_right_arithmetic3A_630 = arith.constant 7 : i32
    %shift_right_arithmetic3A_631 = vector.broadcast %shift_right_arithmetic3A_630 : i32 to vector<16xi32>
    %shift_right_arithmetic3A_632 = arith.shrsi %gather3A_629, %shift_right_arithmetic3A_631 : vector<16xi32>
    %eq3A_633 = arith.cmpi eq, %shift_right_arithmetic3A_632, %select_n3A_173 : vector<16xi32>
    %select_n3A_634 = arith.select %eq3A_633, %broadcast_in_dim3A_179, %broadcast_in_dim3A_181 : vector<16xi1>, vector<16xi32>
    %and3A_635 = arith.andi %select_n3A_634, %select_n3A_184 : vector<16xi32>
    %or3A_636 = arith.ori %or3A_616, %and3A_635 : vector<16xi32>
    %eq3A_637 = arith.cmpi eq, %gather3A_629, %select_n3A_174 : vector<16xi32>
    %select_n3A_638 = arith.select %eq3A_637, %broadcast_in_dim3A_179, %broadcast_in_dim3A_181 : vector<16xi1>, vector<16xi32>
    %and3A_639 = arith.andi %select_n3A_638, %select_n3A_184 : vector<16xi32>
    %or3A_640 = arith.ori %or3A_620, %and3A_639 : vector<16xi32>
    %add3A_641 = arith.constant 5 : i32
    %add3A_642 = vector.broadcast %add3A_641 : i32 to vector<16xi32>
    %add3A_643 = arith.addi %iota3A, %add3A_642 : vector<16xi32>
    %and3A_644 = arith.constant 15 : i32
    %and3A_645 = vector.broadcast %and3A_644 : i32 to vector<16xi32>
    %and3A_646 = arith.andi %add3A_643, %and3A_645 : vector<16xi32>
    %reshape3A_647 = vector.shape_cast %and3A_646 : vector<16xi32> to vector<16x1xi32>
    %gather3A_648 = vector.shape_cast %reshape3A_647 : vector<16x1xi32> to vector<16xi32>
    %gather3A_649 = tpu.dynamic_gather %or3A_171[%gather3A_648] in [0] : vector<16xi32>, vector<16xi32> -> vector<16xi32>
    %shift_right_arithmetic3A_650 = arith.constant 7 : i32
    %shift_right_arithmetic3A_651 = vector.broadcast %shift_right_arithmetic3A_650 : i32 to vector<16xi32>
    %shift_right_arithmetic3A_652 = arith.shrsi %gather3A_649, %shift_right_arithmetic3A_651 : vector<16xi32>
    %eq3A_653 = arith.cmpi eq, %shift_right_arithmetic3A_652, %select_n3A_173 : vector<16xi32>
    %select_n3A_654 = arith.select %eq3A_653, %broadcast_in_dim3A_179, %broadcast_in_dim3A_181 : vector<16xi1>, vector<16xi32>
    %and3A_655 = arith.andi %select_n3A_654, %select_n3A_184 : vector<16xi32>
    %or3A_656 = arith.ori %or3A_636, %and3A_655 : vector<16xi32>
    %eq3A_657 = arith.cmpi eq, %gather3A_649, %select_n3A_174 : vector<16xi32>
    %select_n3A_658 = arith.select %eq3A_657, %broadcast_in_dim3A_179, %broadcast_in_dim3A_181 : vector<16xi1>, vector<16xi32>
    %and3A_659 = arith.andi %select_n3A_658, %select_n3A_184 : vector<16xi32>
    %or3A_660 = arith.ori %or3A_640, %and3A_659 : vector<16xi32>
    %add3A_661 = arith.constant 6 : i32
    %add3A_662 = vector.broadcast %add3A_661 : i32 to vector<16xi32>
    %add3A_663 = arith.addi %iota3A, %add3A_662 : vector<16xi32>
    %and3A_664 = arith.constant 15 : i32
    %and3A_665 = vector.broadcast %and3A_664 : i32 to vector<16xi32>
    %and3A_666 = arith.andi %add3A_663, %and3A_665 : vector<16xi32>
    %reshape3A_667 = vector.shape_cast %and3A_666 : vector<16xi32> to vector<16x1xi32>
    %gather3A_668 = vector.shape_cast %reshape3A_667 : vector<16x1xi32> to vector<16xi32>
    %gather3A_669 = tpu.dynamic_gather %or3A_171[%gather3A_668] in [0] : vector<16xi32>, vector<16xi32> -> vector<16xi32>
    %shift_right_arithmetic3A_670 = arith.constant 7 : i32
    %shift_right_arithmetic3A_671 = vector.broadcast %shift_right_arithmetic3A_670 : i32 to vector<16xi32>
    %shift_right_arithmetic3A_672 = arith.shrsi %gather3A_669, %shift_right_arithmetic3A_671 : vector<16xi32>
    %eq3A_673 = arith.cmpi eq, %shift_right_arithmetic3A_672, %select_n3A_173 : vector<16xi32>
    %select_n3A_674 = arith.select %eq3A_673, %broadcast_in_dim3A_179, %broadcast_in_dim3A_181 : vector<16xi1>, vector<16xi32>
    %and3A_675 = arith.andi %select_n3A_674, %select_n3A_184 : vector<16xi32>
    %or3A_676 = arith.ori %or3A_656, %and3A_675 : vector<16xi32>
    %eq3A_677 = arith.cmpi eq, %gather3A_669, %select_n3A_174 : vector<16xi32>
    %select_n3A_678 = arith.select %eq3A_677, %broadcast_in_dim3A_179, %broadcast_in_dim3A_181 : vector<16xi1>, vector<16xi32>
    %and3A_679 = arith.andi %select_n3A_678, %select_n3A_184 : vector<16xi32>
    %or3A_680 = arith.ori %or3A_660, %and3A_679 : vector<16xi32>
    %add3A_681 = arith.constant 7 : i32
    %add3A_682 = vector.broadcast %add3A_681 : i32 to vector<16xi32>
    %add3A_683 = arith.addi %iota3A, %add3A_682 : vector<16xi32>
    %and3A_684 = arith.constant 15 : i32
    %and3A_685 = vector.broadcast %and3A_684 : i32 to vector<16xi32>
    %and3A_686 = arith.andi %add3A_683, %and3A_685 : vector<16xi32>
    %reshape3A_687 = vector.shape_cast %and3A_686 : vector<16xi32> to vector<16x1xi32>
    %gather3A_688 = vector.shape_cast %reshape3A_687 : vector<16x1xi32> to vector<16xi32>
    %gather3A_689 = tpu.dynamic_gather %or3A_171[%gather3A_688] in [0] : vector<16xi32>, vector<16xi32> -> vector<16xi32>
    %shift_right_arithmetic3A_690 = arith.constant 7 : i32
    %shift_right_arithmetic3A_691 = vector.broadcast %shift_right_arithmetic3A_690 : i32 to vector<16xi32>
    %shift_right_arithmetic3A_692 = arith.shrsi %gather3A_689, %shift_right_arithmetic3A_691 : vector<16xi32>
    %eq3A_693 = arith.cmpi eq, %shift_right_arithmetic3A_692, %select_n3A_173 : vector<16xi32>
    %select_n3A_694 = arith.select %eq3A_693, %broadcast_in_dim3A_179, %broadcast_in_dim3A_181 : vector<16xi1>, vector<16xi32>
    %and3A_695 = arith.andi %select_n3A_694, %select_n3A_184 : vector<16xi32>
    %or3A_696 = arith.ori %or3A_676, %and3A_695 : vector<16xi32>
    %eq3A_697 = arith.cmpi eq, %gather3A_689, %select_n3A_174 : vector<16xi32>
    %select_n3A_698 = arith.select %eq3A_697, %broadcast_in_dim3A_179, %broadcast_in_dim3A_181 : vector<16xi1>, vector<16xi32>
    %and3A_699 = arith.andi %select_n3A_698, %select_n3A_184 : vector<16xi32>
    %or3A_700 = arith.ori %or3A_680, %and3A_699 : vector<16xi32>
    %add3A_701 = arith.constant 8 : i32
    %add3A_702 = vector.broadcast %add3A_701 : i32 to vector<16xi32>
    %add3A_703 = arith.addi %iota3A, %add3A_702 : vector<16xi32>
    %and3A_704 = arith.constant 15 : i32
    %and3A_705 = vector.broadcast %and3A_704 : i32 to vector<16xi32>
    %and3A_706 = arith.andi %add3A_703, %and3A_705 : vector<16xi32>
    %reshape3A_707 = vector.shape_cast %and3A_706 : vector<16xi32> to vector<16x1xi32>
    %gather3A_708 = vector.shape_cast %reshape3A_707 : vector<16x1xi32> to vector<16xi32>
    %gather3A_709 = tpu.dynamic_gather %or3A_171[%gather3A_708] in [0] : vector<16xi32>, vector<16xi32> -> vector<16xi32>
    %shift_right_arithmetic3A_710 = arith.constant 7 : i32
    %shift_right_arithmetic3A_711 = vector.broadcast %shift_right_arithmetic3A_710 : i32 to vector<16xi32>
    %shift_right_arithmetic3A_712 = arith.shrsi %gather3A_709, %shift_right_arithmetic3A_711 : vector<16xi32>
    %eq3A_713 = arith.cmpi eq, %shift_right_arithmetic3A_712, %select_n3A_173 : vector<16xi32>
    %select_n3A_714 = arith.select %eq3A_713, %broadcast_in_dim3A_179, %broadcast_in_dim3A_181 : vector<16xi1>, vector<16xi32>
    %and3A_715 = arith.andi %select_n3A_714, %select_n3A_184 : vector<16xi32>
    %or3A_716 = arith.ori %or3A_696, %and3A_715 : vector<16xi32>
    %eq3A_717 = arith.cmpi eq, %gather3A_709, %select_n3A_174 : vector<16xi32>
    %select_n3A_718 = arith.select %eq3A_717, %broadcast_in_dim3A_179, %broadcast_in_dim3A_181 : vector<16xi1>, vector<16xi32>
    %and3A_719 = arith.andi %select_n3A_718, %select_n3A_184 : vector<16xi32>
    %or3A_720 = arith.ori %or3A_700, %and3A_719 : vector<16xi32>
    %add3A_721 = arith.constant 9 : i32
    %add3A_722 = vector.broadcast %add3A_721 : i32 to vector<16xi32>
    %add3A_723 = arith.addi %iota3A, %add3A_722 : vector<16xi32>
    %and3A_724 = arith.constant 15 : i32
    %and3A_725 = vector.broadcast %and3A_724 : i32 to vector<16xi32>
    %and3A_726 = arith.andi %add3A_723, %and3A_725 : vector<16xi32>
    %reshape3A_727 = vector.shape_cast %and3A_726 : vector<16xi32> to vector<16x1xi32>
    %gather3A_728 = vector.shape_cast %reshape3A_727 : vector<16x1xi32> to vector<16xi32>
    %gather3A_729 = tpu.dynamic_gather %or3A_171[%gather3A_728] in [0] : vector<16xi32>, vector<16xi32> -> vector<16xi32>
    %shift_right_arithmetic3A_730 = arith.constant 7 : i32
    %shift_right_arithmetic3A_731 = vector.broadcast %shift_right_arithmetic3A_730 : i32 to vector<16xi32>
    %shift_right_arithmetic3A_732 = arith.shrsi %gather3A_729, %shift_right_arithmetic3A_731 : vector<16xi32>
    %eq3A_733 = arith.cmpi eq, %shift_right_arithmetic3A_732, %select_n3A_173 : vector<16xi32>
    %select_n3A_734 = arith.select %eq3A_733, %broadcast_in_dim3A_179, %broadcast_in_dim3A_181 : vector<16xi1>, vector<16xi32>
    %and3A_735 = arith.andi %select_n3A_734, %select_n3A_184 : vector<16xi32>
    %or3A_736 = arith.ori %or3A_716, %and3A_735 : vector<16xi32>
    %eq3A_737 = arith.cmpi eq, %gather3A_729, %select_n3A_174 : vector<16xi32>
    %select_n3A_738 = arith.select %eq3A_737, %broadcast_in_dim3A_179, %broadcast_in_dim3A_181 : vector<16xi1>, vector<16xi32>
    %and3A_739 = arith.andi %select_n3A_738, %select_n3A_184 : vector<16xi32>
    %or3A_740 = arith.ori %or3A_720, %and3A_739 : vector<16xi32>
    %add3A_741 = arith.constant 10 : i32
    %add3A_742 = vector.broadcast %add3A_741 : i32 to vector<16xi32>
    %add3A_743 = arith.addi %iota3A, %add3A_742 : vector<16xi32>
    %and3A_744 = arith.constant 15 : i32
    %and3A_745 = vector.broadcast %and3A_744 : i32 to vector<16xi32>
    %and3A_746 = arith.andi %add3A_743, %and3A_745 : vector<16xi32>
    %reshape3A_747 = vector.shape_cast %and3A_746 : vector<16xi32> to vector<16x1xi32>
    %gather3A_748 = vector.shape_cast %reshape3A_747 : vector<16x1xi32> to vector<16xi32>
    %gather3A_749 = tpu.dynamic_gather %or3A_171[%gather3A_748] in [0] : vector<16xi32>, vector<16xi32> -> vector<16xi32>
    %shift_right_arithmetic3A_750 = arith.constant 7 : i32
    %shift_right_arithmetic3A_751 = vector.broadcast %shift_right_arithmetic3A_750 : i32 to vector<16xi32>
    %shift_right_arithmetic3A_752 = arith.shrsi %gather3A_749, %shift_right_arithmetic3A_751 : vector<16xi32>
    %eq3A_753 = arith.cmpi eq, %shift_right_arithmetic3A_752, %select_n3A_173 : vector<16xi32>
    %select_n3A_754 = arith.select %eq3A_753, %broadcast_in_dim3A_179, %broadcast_in_dim3A_181 : vector<16xi1>, vector<16xi32>
    %and3A_755 = arith.andi %select_n3A_754, %select_n3A_184 : vector<16xi32>
    %or3A_756 = arith.ori %or3A_736, %and3A_755 : vector<16xi32>
    %eq3A_757 = arith.cmpi eq, %gather3A_749, %select_n3A_174 : vector<16xi32>
    %select_n3A_758 = arith.select %eq3A_757, %broadcast_in_dim3A_179, %broadcast_in_dim3A_181 : vector<16xi1>, vector<16xi32>
    %and3A_759 = arith.andi %select_n3A_758, %select_n3A_184 : vector<16xi32>
    %or3A_760 = arith.ori %or3A_740, %and3A_759 : vector<16xi32>
    %add3A_761 = arith.constant 11 : i32
    %add3A_762 = vector.broadcast %add3A_761 : i32 to vector<16xi32>
    %add3A_763 = arith.addi %iota3A, %add3A_762 : vector<16xi32>
    %and3A_764 = arith.constant 15 : i32
    %and3A_765 = vector.broadcast %and3A_764 : i32 to vector<16xi32>
    %and3A_766 = arith.andi %add3A_763, %and3A_765 : vector<16xi32>
    %reshape3A_767 = vector.shape_cast %and3A_766 : vector<16xi32> to vector<16x1xi32>
    %gather3A_768 = vector.shape_cast %reshape3A_767 : vector<16x1xi32> to vector<16xi32>
    %gather3A_769 = tpu.dynamic_gather %or3A_171[%gather3A_768] in [0] : vector<16xi32>, vector<16xi32> -> vector<16xi32>
    %shift_right_arithmetic3A_770 = arith.constant 7 : i32
    %shift_right_arithmetic3A_771 = vector.broadcast %shift_right_arithmetic3A_770 : i32 to vector<16xi32>
    %shift_right_arithmetic3A_772 = arith.shrsi %gather3A_769, %shift_right_arithmetic3A_771 : vector<16xi32>
    %eq3A_773 = arith.cmpi eq, %shift_right_arithmetic3A_772, %select_n3A_173 : vector<16xi32>
    %select_n3A_774 = arith.select %eq3A_773, %broadcast_in_dim3A_179, %broadcast_in_dim3A_181 : vector<16xi1>, vector<16xi32>
    %and3A_775 = arith.andi %select_n3A_774, %select_n3A_184 : vector<16xi32>
    %or3A_776 = arith.ori %or3A_756, %and3A_775 : vector<16xi32>
    %eq3A_777 = arith.cmpi eq, %gather3A_769, %select_n3A_174 : vector<16xi32>
    %select_n3A_778 = arith.select %eq3A_777, %broadcast_in_dim3A_179, %broadcast_in_dim3A_181 : vector<16xi1>, vector<16xi32>
    %and3A_779 = arith.andi %select_n3A_778, %select_n3A_184 : vector<16xi32>
    %or3A_780 = arith.ori %or3A_760, %and3A_779 : vector<16xi32>
    %add3A_781 = arith.constant 12 : i32
    %add3A_782 = vector.broadcast %add3A_781 : i32 to vector<16xi32>
    %add3A_783 = arith.addi %iota3A, %add3A_782 : vector<16xi32>
    %and3A_784 = arith.constant 15 : i32
    %and3A_785 = vector.broadcast %and3A_784 : i32 to vector<16xi32>
    %and3A_786 = arith.andi %add3A_783, %and3A_785 : vector<16xi32>
    %reshape3A_787 = vector.shape_cast %and3A_786 : vector<16xi32> to vector<16x1xi32>
    %gather3A_788 = vector.shape_cast %reshape3A_787 : vector<16x1xi32> to vector<16xi32>
    %gather3A_789 = tpu.dynamic_gather %or3A_171[%gather3A_788] in [0] : vector<16xi32>, vector<16xi32> -> vector<16xi32>
    %shift_right_arithmetic3A_790 = arith.constant 7 : i32
    %shift_right_arithmetic3A_791 = vector.broadcast %shift_right_arithmetic3A_790 : i32 to vector<16xi32>
    %shift_right_arithmetic3A_792 = arith.shrsi %gather3A_789, %shift_right_arithmetic3A_791 : vector<16xi32>
    %eq3A_793 = arith.cmpi eq, %shift_right_arithmetic3A_792, %select_n3A_173 : vector<16xi32>
    %select_n3A_794 = arith.select %eq3A_793, %broadcast_in_dim3A_179, %broadcast_in_dim3A_181 : vector<16xi1>, vector<16xi32>
    %and3A_795 = arith.andi %select_n3A_794, %select_n3A_184 : vector<16xi32>
    %or3A_796 = arith.ori %or3A_776, %and3A_795 : vector<16xi32>
    %eq3A_797 = arith.cmpi eq, %gather3A_789, %select_n3A_174 : vector<16xi32>
    %select_n3A_798 = arith.select %eq3A_797, %broadcast_in_dim3A_179, %broadcast_in_dim3A_181 : vector<16xi1>, vector<16xi32>
    %and3A_799 = arith.andi %select_n3A_798, %select_n3A_184 : vector<16xi32>
    %or3A_800 = arith.ori %or3A_780, %and3A_799 : vector<16xi32>
    %add3A_801 = arith.constant 13 : i32
    %add3A_802 = vector.broadcast %add3A_801 : i32 to vector<16xi32>
    %add3A_803 = arith.addi %iota3A, %add3A_802 : vector<16xi32>
    %and3A_804 = arith.constant 15 : i32
    %and3A_805 = vector.broadcast %and3A_804 : i32 to vector<16xi32>
    %and3A_806 = arith.andi %add3A_803, %and3A_805 : vector<16xi32>
    %reshape3A_807 = vector.shape_cast %and3A_806 : vector<16xi32> to vector<16x1xi32>
    %gather3A_808 = vector.shape_cast %reshape3A_807 : vector<16x1xi32> to vector<16xi32>
    %gather3A_809 = tpu.dynamic_gather %or3A_171[%gather3A_808] in [0] : vector<16xi32>, vector<16xi32> -> vector<16xi32>
    %shift_right_arithmetic3A_810 = arith.constant 7 : i32
    %shift_right_arithmetic3A_811 = vector.broadcast %shift_right_arithmetic3A_810 : i32 to vector<16xi32>
    %shift_right_arithmetic3A_812 = arith.shrsi %gather3A_809, %shift_right_arithmetic3A_811 : vector<16xi32>
    %eq3A_813 = arith.cmpi eq, %shift_right_arithmetic3A_812, %select_n3A_173 : vector<16xi32>
    %select_n3A_814 = arith.select %eq3A_813, %broadcast_in_dim3A_179, %broadcast_in_dim3A_181 : vector<16xi1>, vector<16xi32>
    %and3A_815 = arith.andi %select_n3A_814, %select_n3A_184 : vector<16xi32>
    %or3A_816 = arith.ori %or3A_796, %and3A_815 : vector<16xi32>
    %eq3A_817 = arith.cmpi eq, %gather3A_809, %select_n3A_174 : vector<16xi32>
    %select_n3A_818 = arith.select %eq3A_817, %broadcast_in_dim3A_179, %broadcast_in_dim3A_181 : vector<16xi1>, vector<16xi32>
    %and3A_819 = arith.andi %select_n3A_818, %select_n3A_184 : vector<16xi32>
    %or3A_820 = arith.ori %or3A_800, %and3A_819 : vector<16xi32>
    %add3A_821 = arith.constant 14 : i32
    %add3A_822 = vector.broadcast %add3A_821 : i32 to vector<16xi32>
    %add3A_823 = arith.addi %iota3A, %add3A_822 : vector<16xi32>
    %and3A_824 = arith.constant 15 : i32
    %and3A_825 = vector.broadcast %and3A_824 : i32 to vector<16xi32>
    %and3A_826 = arith.andi %add3A_823, %and3A_825 : vector<16xi32>
    %reshape3A_827 = vector.shape_cast %and3A_826 : vector<16xi32> to vector<16x1xi32>
    %gather3A_828 = vector.shape_cast %reshape3A_827 : vector<16x1xi32> to vector<16xi32>
    %gather3A_829 = tpu.dynamic_gather %or3A_171[%gather3A_828] in [0] : vector<16xi32>, vector<16xi32> -> vector<16xi32>
    %shift_right_arithmetic3A_830 = arith.constant 7 : i32
    %shift_right_arithmetic3A_831 = vector.broadcast %shift_right_arithmetic3A_830 : i32 to vector<16xi32>
    %shift_right_arithmetic3A_832 = arith.shrsi %gather3A_829, %shift_right_arithmetic3A_831 : vector<16xi32>
    %eq3A_833 = arith.cmpi eq, %shift_right_arithmetic3A_832, %select_n3A_173 : vector<16xi32>
    %select_n3A_834 = arith.select %eq3A_833, %broadcast_in_dim3A_179, %broadcast_in_dim3A_181 : vector<16xi1>, vector<16xi32>
    %and3A_835 = arith.andi %select_n3A_834, %select_n3A_184 : vector<16xi32>
    %or3A_836 = arith.ori %or3A_816, %and3A_835 : vector<16xi32>
    %eq3A_837 = arith.cmpi eq, %gather3A_829, %select_n3A_174 : vector<16xi32>
    %select_n3A_838 = arith.select %eq3A_837, %broadcast_in_dim3A_179, %broadcast_in_dim3A_181 : vector<16xi1>, vector<16xi32>
    %and3A_839 = arith.andi %select_n3A_838, %select_n3A_184 : vector<16xi32>
    %or3A_840 = arith.ori %or3A_820, %and3A_839 : vector<16xi32>
    %add3A_841 = arith.constant 15 : i32
    %add3A_842 = vector.broadcast %add3A_841 : i32 to vector<16xi32>
    %add3A_843 = arith.addi %iota3A, %add3A_842 : vector<16xi32>
    %and3A_844 = arith.constant 15 : i32
    %and3A_845 = vector.broadcast %and3A_844 : i32 to vector<16xi32>
    %and3A_846 = arith.andi %add3A_843, %and3A_845 : vector<16xi32>
    %reshape3A_847 = vector.shape_cast %and3A_846 : vector<16xi32> to vector<16x1xi32>
    %gather3A_848 = vector.shape_cast %reshape3A_847 : vector<16x1xi32> to vector<16xi32>
    %gather3A_849 = tpu.dynamic_gather %or3A_171[%gather3A_848] in [0] : vector<16xi32>, vector<16xi32> -> vector<16xi32>
    %shift_right_arithmetic3A_850 = arith.constant 7 : i32
    %shift_right_arithmetic3A_851 = vector.broadcast %shift_right_arithmetic3A_850 : i32 to vector<16xi32>
    %shift_right_arithmetic3A_852 = arith.shrsi %gather3A_849, %shift_right_arithmetic3A_851 : vector<16xi32>
    %eq3A_853 = arith.cmpi eq, %shift_right_arithmetic3A_852, %select_n3A_173 : vector<16xi32>
    %select_n3A_854 = arith.select %eq3A_853, %broadcast_in_dim3A_179, %broadcast_in_dim3A_181 : vector<16xi1>, vector<16xi32>
    %and3A_855 = arith.andi %select_n3A_854, %select_n3A_184 : vector<16xi32>
    %or3A_856 = arith.ori %or3A_836, %and3A_855 : vector<16xi32>
    %eq3A_857 = arith.cmpi eq, %gather3A_849, %select_n3A_174 : vector<16xi32>
    %select_n3A_858 = arith.select %eq3A_857, %broadcast_in_dim3A_179, %broadcast_in_dim3A_181 : vector<16xi1>, vector<16xi32>
    %and3A_859 = arith.andi %select_n3A_858, %select_n3A_184 : vector<16xi32>
    %or3A_860 = arith.ori %or3A_840, %and3A_859 : vector<16xi32>
    %eq3A_861 = arith.constant 0 : i32
    %eq3A_862 = vector.broadcast %eq3A_861 : i32 to vector<16xi32>
    %eq3A_863 = arith.cmpi eq, %or3A_856, %eq3A_862 : vector<16xi32>
    %jit3A_864 = arith.constant 1.000000e+00 : f32
    %jit3A_865 = arith.constant 0.000000e+00 : f32
    %broadcast_in_dim3A_866 = vector.broadcast %jit3A_864 : f32 to vector<16xf32>
    %broadcast_in_dim3A_867 = vector.broadcast %jit3A_865 : f32 to vector<16xf32>
    %select_n3A_868 = arith.select %eq3A_863, %broadcast_in_dim3A_866, %broadcast_in_dim3A_867 : vector<16xi1>, vector<16xf32>
    %eq3A_869 = arith.constant 0 : i32
    %eq3A_870 = vector.broadcast %eq3A_869 : i32 to vector<16xi32>
    %eq3A_871 = arith.cmpi eq, %or3A_860, %eq3A_870 : vector<16xi32>
    %jit3A_872 = arith.constant 1.000000e+00 : f32
    %jit3A_873 = arith.constant 0.000000e+00 : f32
    %broadcast_in_dim3A_874 = vector.broadcast %jit3A_872 : f32 to vector<16xf32>
    %broadcast_in_dim3A_875 = vector.broadcast %jit3A_873 : f32 to vector<16xf32>
    %select_n3A_876 = arith.select %eq3A_871, %broadcast_in_dim3A_874, %broadcast_in_dim3A_875 : vector<16xi1>, vector<16xf32>
    %convert_element_type3A_877 = arith.sitofp %select_n3A_173 : vector<16xi32> to vector<16xf32>
    %get3A_878 = arith.constant 0 : index
    %get3A_879 = tpu.vector_load %arg9[%get3A_878] {strides = array<i32>} : memref<16xf32, #tpu.memory_space<vmem>>, vector<16xf32>,
    %get3A_880 = vector.shape_cast %get3A_879 : vector<16xf32> to vector<16xf32>
    %get3A_881 = arith.constant 0 : index
    %get3A_882 = tpu.vector_load %arg10[%get3A_881] {strides = array<i32>} : memref<16xf32, #tpu.memory_space<vmem>>, vector<16xf32>,
    %get3A_883 = vector.shape_cast %get3A_882 : vector<16xf32> to vector<16xf32>
    %swap3A = arith.constant 0 : index
    %swap3A_884 = tpu.vector_load %arg13[%swap3A] {strides = array<i32>} : memref<128xf32, #tpu.memory_space<vmem>>, vector<16xf32>,
    %swap3A_885 = vector.shape_cast %swap3A_884 : vector<16xf32> to vector<16xf32>
    %swap3A_886 = vector.shape_cast %convert_element_type3A_877 : vector<16xf32> to vector<16xf32>
    tpu.vector_store %arg13[%swap3A], %swap3A_886 {strides = array<i32>} : memref<128xf32, #tpu.memory_space<vmem>>, vector<16xf32>,
    %swap3A_887 = arith.constant 16 : index
    %swap3A_888 = tpu.vector_load %arg13[%swap3A_887] {strides = array<i32>} : memref<128xf32, #tpu.memory_space<vmem>>, vector<16xf32>,
    %swap3A_889 = vector.shape_cast %swap3A_888 : vector<16xf32> to vector<16xf32>
    %swap3A_890 = vector.shape_cast %select_n3A_868 : vector<16xf32> to vector<16xf32>
    tpu.vector_store %arg13[%swap3A_887], %swap3A_890 {strides = array<i32>} : memref<128xf32, #tpu.memory_space<vmem>>, vector<16xf32>,
    %swap3A_891 = arith.constant 32 : index
    %swap3A_892 = tpu.vector_load %arg13[%swap3A_891] {strides = array<i32>} : memref<128xf32, #tpu.memory_space<vmem>>, vector<16xf32>,
    %swap3A_893 = vector.shape_cast %swap3A_892 : vector<16xf32> to vector<16xf32>
    %swap3A_894 = vector.shape_cast %select_n3A_876 : vector<16xf32> to vector<16xf32>
    tpu.vector_store %arg13[%swap3A_891], %swap3A_894 {strides = array<i32>} : memref<128xf32, #tpu.memory_space<vmem>>, vector<16xf32>,
    %swap3A_895 = arith.constant 48 : index
    %swap3A_896 = tpu.vector_load %arg13[%swap3A_895] {strides = array<i32>} : memref<128xf32, #tpu.memory_space<vmem>>, vector<16xf32>,
    %swap3A_897 = vector.shape_cast %swap3A_896 : vector<16xf32> to vector<16xf32>
    %swap3A_898 = vector.shape_cast %convert_element_type3A_176 : vector<16xf32> to vector<16xf32>
    tpu.vector_store %arg13[%swap3A_895], %swap3A_898 {strides = array<i32>} : memref<128xf32, #tpu.memory_space<vmem>>, vector<16xf32>,
    %swap3A_899 = arith.constant 64 : index
    %swap3A_900 = tpu.vector_load %arg13[%swap3A_899] {strides = array<i32>} : memref<128xf32, #tpu.memory_space<vmem>>, vector<16xf32>,
    %swap3A_901 = vector.shape_cast %swap3A_900 : vector<16xf32> to vector<16xf32>
    %swap3A_902 = vector.shape_cast %select_n3A_177 : vector<16xf32> to vector<16xf32>
    tpu.vector_store %arg13[%swap3A_899], %swap3A_902 {strides = array<i32>} : memref<128xf32, #tpu.memory_space<vmem>>, vector<16xf32>,
    %swap3A_903 = arith.constant 80 : index
    %swap3A_904 = tpu.vector_load %arg13[%swap3A_903] {strides = array<i32>} : memref<128xf32, #tpu.memory_space<vmem>>, vector<16xf32>,
    %swap3A_905 = vector.shape_cast %swap3A_904 : vector<16xf32> to vector<16xf32>
    %swap3A_906 = vector.shape_cast %select_n3A_178 : vector<16xf32> to vector<16xf32>
    tpu.vector_store %arg13[%swap3A_903], %swap3A_906 {strides = array<i32>} : memref<128xf32, #tpu.memory_space<vmem>>, vector<16xf32>,
    %swap3A_907 = arith.constant 96 : index
    %swap3A_908 = tpu.vector_load %arg13[%swap3A_907] {strides = array<i32>} : memref<128xf32, #tpu.memory_space<vmem>>, vector<16xf32>,
    %swap3A_909 = vector.shape_cast %swap3A_908 : vector<16xf32> to vector<16xf32>
    %swap3A_910 = vector.shape_cast %get3A_880 : vector<16xf32> to vector<16xf32>
    tpu.vector_store %arg13[%swap3A_907], %swap3A_910 {strides = array<i32>} : memref<128xf32, #tpu.memory_space<vmem>>, vector<16xf32>,
    %swap3A_911 = arith.constant 112 : index
    %swap3A_912 = tpu.vector_load %arg13[%swap3A_911] {strides = array<i32>} : memref<128xf32, #tpu.memory_space<vmem>>, vector<16xf32>,
    %swap3A_913 = vector.shape_cast %swap3A_912 : vector<16xf32> to vector<16xf32>
    %swap3A_914 = vector.shape_cast %get3A_883 : vector<16xf32> to vector<16xf32>
    tpu.vector_store %arg13[%swap3A_911], %swap3A_914 {strides = array<i32>} : memref<128xf32, #tpu.memory_space<vmem>>, vector<16xf32>,
    %mul3A_915 = arith.constant 16 : i32
    %mul3A_916 = arith.muli %sub3A_21, %mul3A_915 : i32
    %dma_start3A_917 = arith.constant 0 : i32
    %dma_start3A_918 = arith.constant 0 : i32
    %dma_start3A_919 = tpu.memref_slice %arg13[%dma_start3A_918] : memref<128xf32, #tpu.memory_space<vmem>> -> memref<16xf32, #tpu.memory_space<vmem>>
    %dma_start3A_920 = tpu.memref_slice %arg4[%select_n3A, %dma_start3A_917, %mul3A_916] : memref<16x8x128xf32, #tpu.memory_space<hbm>> -> memref<1x1x16xf32, #tpu.memory_space<hbm>>
    %dma_start3A_921 = tpu.memref_squeeze %dma_start3A_920 : memref<1x1x16xf32, #tpu.memory_space<hbm>> -> memref<16xf32, #tpu.memory_space<hbm>>
    %dma_start3A_922 = tpu.memref_slice %arg4[%select_n3A, %dma_start3A_917, %mul3A_916] : memref<16x8x128xf32, #tpu.memory_space<hbm>> -> memref<1x1x16xf32, #tpu.memory_space<hbm>>
    %dma_start3A_923 = tpu.memref_squeeze %dma_start3A_922 : memref<1x1x16xf32, #tpu.memory_space<hbm>> -> memref<16xf32, #tpu.memory_space<hbm>>
    %dma_start3A_924 = arith.constant 0 : i32
    %dma_start3A_925 = tpu.memref_slice %arg13[%dma_start3A_924] : memref<128xf32, #tpu.memory_space<vmem>> -> memref<16xf32, #tpu.memory_space<vmem>>
    tpu.enqueue_dma source(%dma_start3A_925 : memref<16xf32, #tpu.memory_space<vmem>>) target(%dma_start3A_923 : memref<16xf32, #tpu.memory_space<hbm>>) target_semaphore(%arg15 : memref<!tpu.dma_semaphore, #tpu.memory_space<semaphore_mem>>)
    %mul3A_926 = arith.constant 16 : i32
    %mul3A_927 = arith.muli %sub3A_21, %mul3A_926 : i32
    %dma_start3A_928 = arith.constant 1 : i32
    %dma_start3A_929 = arith.constant 16 : i32
    %dma_start3A_930 = tpu.memref_slice %arg13[%dma_start3A_929] : memref<128xf32, #tpu.memory_space<vmem>> -> memref<16xf32, #tpu.memory_space<vmem>>
    %dma_start3A_931 = tpu.memref_slice %arg4[%select_n3A, %dma_start3A_928, %mul3A_927] : memref<16x8x128xf32, #tpu.memory_space<hbm>> -> memref<1x1x16xf32, #tpu.memory_space<hbm>>
    %dma_start3A_932 = tpu.memref_squeeze %dma_start3A_931 : memref<1x1x16xf32, #tpu.memory_space<hbm>> -> memref<16xf32, #tpu.memory_space<hbm>>
    %dma_start3A_933 = tpu.memref_slice %arg4[%select_n3A, %dma_start3A_928, %mul3A_927] : memref<16x8x128xf32, #tpu.memory_space<hbm>> -> memref<1x1x16xf32, #tpu.memory_space<hbm>>
    %dma_start3A_934 = tpu.memref_squeeze %dma_start3A_933 : memref<1x1x16xf32, #tpu.memory_space<hbm>> -> memref<16xf32, #tpu.memory_space<hbm>>
    %dma_start3A_935 = arith.constant 16 : i32
    %dma_start3A_936 = tpu.memref_slice %arg13[%dma_start3A_935] : memref<128xf32, #tpu.memory_space<vmem>> -> memref<16xf32, #tpu.memory_space<vmem>>
    tpu.enqueue_dma source(%dma_start3A_936 : memref<16xf32, #tpu.memory_space<vmem>>) target(%dma_start3A_934 : memref<16xf32, #tpu.memory_space<hbm>>) target_semaphore(%arg15 : memref<!tpu.dma_semaphore, #tpu.memory_space<semaphore_mem>>)
    %mul3A_937 = arith.constant 16 : i32
    %mul3A_938 = arith.muli %sub3A_21, %mul3A_937 : i32
    %dma_start3A_939 = arith.constant 2 : i32
    %dma_start3A_940 = arith.constant 32 : i32
    %dma_start3A_941 = tpu.memref_slice %arg13[%dma_start3A_940] : memref<128xf32, #tpu.memory_space<vmem>> -> memref<16xf32, #tpu.memory_space<vmem>>
    %dma_start3A_942 = tpu.memref_slice %arg4[%select_n3A, %dma_start3A_939, %mul3A_938] : memref<16x8x128xf32, #tpu.memory_space<hbm>> -> memref<1x1x16xf32, #tpu.memory_space<hbm>>
    %dma_start3A_943 = tpu.memref_squeeze %dma_start3A_942 : memref<1x1x16xf32, #tpu.memory_space<hbm>> -> memref<16xf32, #tpu.memory_space<hbm>>
    %dma_start3A_944 = tpu.memref_slice %arg4[%select_n3A, %dma_start3A_939, %mul3A_938] : memref<16x8x128xf32, #tpu.memory_space<hbm>> -> memref<1x1x16xf32, #tpu.memory_space<hbm>>
    %dma_start3A_945 = tpu.memref_squeeze %dma_start3A_944 : memref<1x1x16xf32, #tpu.memory_space<hbm>> -> memref<16xf32, #tpu.memory_space<hbm>>
    %dma_start3A_946 = arith.constant 32 : i32
    %dma_start3A_947 = tpu.memref_slice %arg13[%dma_start3A_946] : memref<128xf32, #tpu.memory_space<vmem>> -> memref<16xf32, #tpu.memory_space<vmem>>
    tpu.enqueue_dma source(%dma_start3A_947 : memref<16xf32, #tpu.memory_space<vmem>>) target(%dma_start3A_945 : memref<16xf32, #tpu.memory_space<hbm>>) target_semaphore(%arg15 : memref<!tpu.dma_semaphore, #tpu.memory_space<semaphore_mem>>)
    %mul3A_948 = arith.constant 16 : i32
    %mul3A_949 = arith.muli %sub3A_21, %mul3A_948 : i32
    %dma_start3A_950 = arith.constant 3 : i32
    %dma_start3A_951 = arith.constant 48 : i32
    %dma_start3A_952 = tpu.memref_slice %arg13[%dma_start3A_951] : memref<128xf32, #tpu.memory_space<vmem>> -> memref<16xf32, #tpu.memory_space<vmem>>
    %dma_start3A_953 = tpu.memref_slice %arg4[%select_n3A, %dma_start3A_950, %mul3A_949] : memref<16x8x128xf32, #tpu.memory_space<hbm>> -> memref<1x1x16xf32, #tpu.memory_space<hbm>>
    %dma_start3A_954 = tpu.memref_squeeze %dma_start3A_953 : memref<1x1x16xf32, #tpu.memory_space<hbm>> -> memref<16xf32, #tpu.memory_space<hbm>>
    %dma_start3A_955 = tpu.memref_slice %arg4[%select_n3A, %dma_start3A_950, %mul3A_949] : memref<16x8x128xf32, #tpu.memory_space<hbm>> -> memref<1x1x16xf32, #tpu.memory_space<hbm>>
    %dma_start3A_956 = tpu.memref_squeeze %dma_start3A_955 : memref<1x1x16xf32, #tpu.memory_space<hbm>> -> memref<16xf32, #tpu.memory_space<hbm>>
    %dma_start3A_957 = arith.constant 48 : i32
    %dma_start3A_958 = tpu.memref_slice %arg13[%dma_start3A_957] : memref<128xf32, #tpu.memory_space<vmem>> -> memref<16xf32, #tpu.memory_space<vmem>>
    tpu.enqueue_dma source(%dma_start3A_958 : memref<16xf32, #tpu.memory_space<vmem>>) target(%dma_start3A_956 : memref<16xf32, #tpu.memory_space<hbm>>) target_semaphore(%arg15 : memref<!tpu.dma_semaphore, #tpu.memory_space<semaphore_mem>>)
    %mul3A_959 = arith.constant 16 : i32
    %mul3A_960 = arith.muli %sub3A_21, %mul3A_959 : i32
    %dma_start3A_961 = arith.constant 4 : i32
    %dma_start3A_962 = arith.constant 64 : i32
    %dma_start3A_963 = tpu.memref_slice %arg13[%dma_start3A_962] : memref<128xf32, #tpu.memory_space<vmem>> -> memref<16xf32, #tpu.memory_space<vmem>>
    %dma_start3A_964 = tpu.memref_slice %arg4[%select_n3A, %dma_start3A_961, %mul3A_960] : memref<16x8x128xf32, #tpu.memory_space<hbm>> -> memref<1x1x16xf32, #tpu.memory_space<hbm>>
    %dma_start3A_965 = tpu.memref_squeeze %dma_start3A_964 : memref<1x1x16xf32, #tpu.memory_space<hbm>> -> memref<16xf32, #tpu.memory_space<hbm>>
    %dma_start3A_966 = tpu.memref_slice %arg4[%select_n3A, %dma_start3A_961, %mul3A_960] : memref<16x8x128xf32, #tpu.memory_space<hbm>> -> memref<1x1x16xf32, #tpu.memory_space<hbm>>
    %dma_start3A_967 = tpu.memref_squeeze %dma_start3A_966 : memref<1x1x16xf32, #tpu.memory_space<hbm>> -> memref<16xf32, #tpu.memory_space<hbm>>
    %dma_start3A_968 = arith.constant 64 : i32
    %dma_start3A_969 = tpu.memref_slice %arg13[%dma_start3A_968] : memref<128xf32, #tpu.memory_space<vmem>> -> memref<16xf32, #tpu.memory_space<vmem>>
    tpu.enqueue_dma source(%dma_start3A_969 : memref<16xf32, #tpu.memory_space<vmem>>) target(%dma_start3A_967 : memref<16xf32, #tpu.memory_space<hbm>>) target_semaphore(%arg15 : memref<!tpu.dma_semaphore, #tpu.memory_space<semaphore_mem>>)
    %mul3A_970 = arith.constant 16 : i32
    %mul3A_971 = arith.muli %sub3A_21, %mul3A_970 : i32
    %dma_start3A_972 = arith.constant 5 : i32
    %dma_start3A_973 = arith.constant 80 : i32
    %dma_start3A_974 = tpu.memref_slice %arg13[%dma_start3A_973] : memref<128xf32, #tpu.memory_space<vmem>> -> memref<16xf32, #tpu.memory_space<vmem>>
    %dma_start3A_975 = tpu.memref_slice %arg4[%select_n3A, %dma_start3A_972, %mul3A_971] : memref<16x8x128xf32, #tpu.memory_space<hbm>> -> memref<1x1x16xf32, #tpu.memory_space<hbm>>
    %dma_start3A_976 = tpu.memref_squeeze %dma_start3A_975 : memref<1x1x16xf32, #tpu.memory_space<hbm>> -> memref<16xf32, #tpu.memory_space<hbm>>
    %dma_start3A_977 = tpu.memref_slice %arg4[%select_n3A, %dma_start3A_972, %mul3A_971] : memref<16x8x128xf32, #tpu.memory_space<hbm>> -> memref<1x1x16xf32, #tpu.memory_space<hbm>>
    %dma_start3A_978 = tpu.memref_squeeze %dma_start3A_977 : memref<1x1x16xf32, #tpu.memory_space<hbm>> -> memref<16xf32, #tpu.memory_space<hbm>>
    %dma_start3A_979 = arith.constant 80 : i32
    %dma_start3A_980 = tpu.memref_slice %arg13[%dma_start3A_979] : memref<128xf32, #tpu.memory_space<vmem>> -> memref<16xf32, #tpu.memory_space<vmem>>
    tpu.enqueue_dma source(%dma_start3A_980 : memref<16xf32, #tpu.memory_space<vmem>>) target(%dma_start3A_978 : memref<16xf32, #tpu.memory_space<hbm>>) target_semaphore(%arg15 : memref<!tpu.dma_semaphore, #tpu.memory_space<semaphore_mem>>)
    %mul3A_981 = arith.constant 16 : i32
    %mul3A_982 = arith.muli %sub3A_21, %mul3A_981 : i32
    %dma_start3A_983 = arith.constant 6 : i32
    %dma_start3A_984 = arith.constant 96 : i32
    %dma_start3A_985 = tpu.memref_slice %arg13[%dma_start3A_984] : memref<128xf32, #tpu.memory_space<vmem>> -> memref<16xf32, #tpu.memory_space<vmem>>
    %dma_start3A_986 = tpu.memref_slice %arg4[%select_n3A, %dma_start3A_983, %mul3A_982] : memref<16x8x128xf32, #tpu.memory_space<hbm>> -> memref<1x1x16xf32, #tpu.memory_space<hbm>>
    %dma_start3A_987 = tpu.memref_squeeze %dma_start3A_986 : memref<1x1x16xf32, #tpu.memory_space<hbm>> -> memref<16xf32, #tpu.memory_space<hbm>>
    %dma_start3A_988 = tpu.memref_slice %arg4[%select_n3A, %dma_start3A_983, %mul3A_982] : memref<16x8x128xf32, #tpu.memory_space<hbm>> -> memref<1x1x16xf32, #tpu.memory_space<hbm>>
    %dma_start3A_989 = tpu.memref_squeeze %dma_start3A_988 : memref<1x1x16xf32, #tpu.memory_space<hbm>> -> memref<16xf32, #tpu.memory_space<hbm>>
    %dma_start3A_990 = arith.constant 96 : i32
    %dma_start3A_991 = tpu.memref_slice %arg13[%dma_start3A_990] : memref<128xf32, #tpu.memory_space<vmem>> -> memref<16xf32, #tpu.memory_space<vmem>>
    tpu.enqueue_dma source(%dma_start3A_991 : memref<16xf32, #tpu.memory_space<vmem>>) target(%dma_start3A_989 : memref<16xf32, #tpu.memory_space<hbm>>) target_semaphore(%arg15 : memref<!tpu.dma_semaphore, #tpu.memory_space<semaphore_mem>>)
    %mul3A_992 = arith.constant 16 : i32
    %mul3A_993 = arith.muli %sub3A_21, %mul3A_992 : i32
    %dma_start3A_994 = arith.constant 7 : i32
    %dma_start3A_995 = arith.constant 112 : i32
    %dma_start3A_996 = tpu.memref_slice %arg13[%dma_start3A_995] : memref<128xf32, #tpu.memory_space<vmem>> -> memref<16xf32, #tpu.memory_space<vmem>>
    %dma_start3A_997 = tpu.memref_slice %arg4[%select_n3A, %dma_start3A_994, %mul3A_993] : memref<16x8x128xf32, #tpu.memory_space<hbm>> -> memref<1x1x16xf32, #tpu.memory_space<hbm>>
    %dma_start3A_998 = tpu.memref_squeeze %dma_start3A_997 : memref<1x1x16xf32, #tpu.memory_space<hbm>> -> memref<16xf32, #tpu.memory_space<hbm>>
    %dma_start3A_999 = tpu.memref_slice %arg4[%select_n3A, %dma_start3A_994, %mul3A_993] : memref<16x8x128xf32, #tpu.memory_space<hbm>> -> memref<1x1x16xf32, #tpu.memory_space<hbm>>
    %dma_start3A_1000 = tpu.memref_squeeze %dma_start3A_999 : memref<1x1x16xf32, #tpu.memory_space<hbm>> -> memref<16xf32, #tpu.memory_space<hbm>>
    %dma_start3A_1001 = arith.constant 112 : i32
    %dma_start3A_1002 = tpu.memref_slice %arg13[%dma_start3A_1001] : memref<128xf32, #tpu.memory_space<vmem>> -> memref<16xf32, #tpu.memory_space<vmem>>
    tpu.enqueue_dma source(%dma_start3A_1002 : memref<16xf32, #tpu.memory_space<vmem>>) target(%dma_start3A_1000 : memref<16xf32, #tpu.memory_space<hbm>>) target_semaphore(%arg15 : memref<!tpu.dma_semaphore, #tpu.memory_space<semaphore_mem>>)
    %dma_wait3A_1003 = arith.constant 0 : i32
    %dma_wait3A_1004 = arith.constant 0 : i32
    %dma_wait3A_1005 = tpu.memref_slice %arg13[%dma_wait3A_1004] : memref<128xf32, #tpu.memory_space<vmem>> -> memref<16xf32, #tpu.memory_space<vmem>>
    %dma_wait3A_1006 = tpu.memref_slice %arg4[%select_n3A, %dma_wait3A_1003, %mul3A_916] : memref<16x8x128xf32, #tpu.memory_space<hbm>> -> memref<1x1x16xf32, #tpu.memory_space<hbm>>
    %dma_wait3A_1007 = tpu.memref_squeeze %dma_wait3A_1006 : memref<1x1x16xf32, #tpu.memory_space<hbm>> -> memref<16xf32, #tpu.memory_space<hbm>>
    %dma_wait3A_1008 = tpu.memref_slice %arg4[%select_n3A, %dma_wait3A_1003, %mul3A_916] : memref<16x8x128xf32, #tpu.memory_space<hbm>> -> memref<1x1x16xf32, #tpu.memory_space<hbm>>
    %dma_wait3A_1009 = tpu.memref_squeeze %dma_wait3A_1008 : memref<1x1x16xf32, #tpu.memory_space<hbm>> -> memref<16xf32, #tpu.memory_space<hbm>>
    %dma_wait3A_1010 = arith.constant 0 : i32
    %dma_wait3A_1011 = tpu.memref_slice %arg13[%dma_wait3A_1010] : memref<128xf32, #tpu.memory_space<vmem>> -> memref<16xf32, #tpu.memory_space<vmem>>
    tpu.wait_dma2 semaphore(%arg15 : memref<!tpu.dma_semaphore, #tpu.memory_space<semaphore_mem>>) src(%dma_wait3A_1011 : memref<16xf32, #tpu.memory_space<vmem>>) dst(%dma_wait3A_1009 : memref<16xf32, #tpu.memory_space<hbm>>)
    %dma_wait3A_1012 = arith.constant 1 : i32
    %dma_wait3A_1013 = arith.constant 16 : i32
    %dma_wait3A_1014 = tpu.memref_slice %arg13[%dma_wait3A_1013] : memref<128xf32, #tpu.memory_space<vmem>> -> memref<16xf32, #tpu.memory_space<vmem>>
    %dma_wait3A_1015 = tpu.memref_slice %arg4[%select_n3A, %dma_wait3A_1012, %mul3A_927] : memref<16x8x128xf32, #tpu.memory_space<hbm>> -> memref<1x1x16xf32, #tpu.memory_space<hbm>>
    %dma_wait3A_1016 = tpu.memref_squeeze %dma_wait3A_1015 : memref<1x1x16xf32, #tpu.memory_space<hbm>> -> memref<16xf32, #tpu.memory_space<hbm>>
    %dma_wait3A_1017 = tpu.memref_slice %arg4[%select_n3A, %dma_wait3A_1012, %mul3A_927] : memref<16x8x128xf32, #tpu.memory_space<hbm>> -> memref<1x1x16xf32, #tpu.memory_space<hbm>>
    %dma_wait3A_1018 = tpu.memref_squeeze %dma_wait3A_1017 : memref<1x1x16xf32, #tpu.memory_space<hbm>> -> memref<16xf32, #tpu.memory_space<hbm>>
    %dma_wait3A_1019 = arith.constant 16 : i32
    %dma_wait3A_1020 = tpu.memref_slice %arg13[%dma_wait3A_1019] : memref<128xf32, #tpu.memory_space<vmem>> -> memref<16xf32, #tpu.memory_space<vmem>>
    tpu.wait_dma2 semaphore(%arg15 : memref<!tpu.dma_semaphore, #tpu.memory_space<semaphore_mem>>) src(%dma_wait3A_1020 : memref<16xf32, #tpu.memory_space<vmem>>) dst(%dma_wait3A_1018 : memref<16xf32, #tpu.memory_space<hbm>>)
    %dma_wait3A_1021 = arith.constant 2 : i32
    %dma_wait3A_1022 = arith.constant 32 : i32
    %dma_wait3A_1023 = tpu.memref_slice %arg13[%dma_wait3A_1022] : memref<128xf32, #tpu.memory_space<vmem>> -> memref<16xf32, #tpu.memory_space<vmem>>
    %dma_wait3A_1024 = tpu.memref_slice %arg4[%select_n3A, %dma_wait3A_1021, %mul3A_938] : memref<16x8x128xf32, #tpu.memory_space<hbm>> -> memref<1x1x16xf32, #tpu.memory_space<hbm>>
    %dma_wait3A_1025 = tpu.memref_squeeze %dma_wait3A_1024 : memref<1x1x16xf32, #tpu.memory_space<hbm>> -> memref<16xf32, #tpu.memory_space<hbm>>
    %dma_wait3A_1026 = tpu.memref_slice %arg4[%select_n3A, %dma_wait3A_1021, %mul3A_938] : memref<16x8x128xf32, #tpu.memory_space<hbm>> -> memref<1x1x16xf32, #tpu.memory_space<hbm>>
    %dma_wait3A_1027 = tpu.memref_squeeze %dma_wait3A_1026 : memref<1x1x16xf32, #tpu.memory_space<hbm>> -> memref<16xf32, #tpu.memory_space<hbm>>
    %dma_wait3A_1028 = arith.constant 32 : i32
    %dma_wait3A_1029 = tpu.memref_slice %arg13[%dma_wait3A_1028] : memref<128xf32, #tpu.memory_space<vmem>> -> memref<16xf32, #tpu.memory_space<vmem>>
    tpu.wait_dma2 semaphore(%arg15 : memref<!tpu.dma_semaphore, #tpu.memory_space<semaphore_mem>>) src(%dma_wait3A_1029 : memref<16xf32, #tpu.memory_space<vmem>>) dst(%dma_wait3A_1027 : memref<16xf32, #tpu.memory_space<hbm>>)
    %dma_wait3A_1030 = arith.constant 3 : i32
    %dma_wait3A_1031 = arith.constant 48 : i32
    %dma_wait3A_1032 = tpu.memref_slice %arg13[%dma_wait3A_1031] : memref<128xf32, #tpu.memory_space<vmem>> -> memref<16xf32, #tpu.memory_space<vmem>>
    %dma_wait3A_1033 = tpu.memref_slice %arg4[%select_n3A, %dma_wait3A_1030, %mul3A_949] : memref<16x8x128xf32, #tpu.memory_space<hbm>> -> memref<1x1x16xf32, #tpu.memory_space<hbm>>
    %dma_wait3A_1034 = tpu.memref_squeeze %dma_wait3A_1033 : memref<1x1x16xf32, #tpu.memory_space<hbm>> -> memref<16xf32, #tpu.memory_space<hbm>>
    %dma_wait3A_1035 = tpu.memref_slice %arg4[%select_n3A, %dma_wait3A_1030, %mul3A_949] : memref<16x8x128xf32, #tpu.memory_space<hbm>> -> memref<1x1x16xf32, #tpu.memory_space<hbm>>
    %dma_wait3A_1036 = tpu.memref_squeeze %dma_wait3A_1035 : memref<1x1x16xf32, #tpu.memory_space<hbm>> -> memref<16xf32, #tpu.memory_space<hbm>>
    %dma_wait3A_1037 = arith.constant 48 : i32
    %dma_wait3A_1038 = tpu.memref_slice %arg13[%dma_wait3A_1037] : memref<128xf32, #tpu.memory_space<vmem>> -> memref<16xf32, #tpu.memory_space<vmem>>
    tpu.wait_dma2 semaphore(%arg15 : memref<!tpu.dma_semaphore, #tpu.memory_space<semaphore_mem>>) src(%dma_wait3A_1038 : memref<16xf32, #tpu.memory_space<vmem>>) dst(%dma_wait3A_1036 : memref<16xf32, #tpu.memory_space<hbm>>)
    %dma_wait3A_1039 = arith.constant 4 : i32
    %dma_wait3A_1040 = arith.constant 64 : i32
    %dma_wait3A_1041 = tpu.memref_slice %arg13[%dma_wait3A_1040] : memref<128xf32, #tpu.memory_space<vmem>> -> memref<16xf32, #tpu.memory_space<vmem>>
    %dma_wait3A_1042 = tpu.memref_slice %arg4[%select_n3A, %dma_wait3A_1039, %mul3A_960] : memref<16x8x128xf32, #tpu.memory_space<hbm>> -> memref<1x1x16xf32, #tpu.memory_space<hbm>>
    %dma_wait3A_1043 = tpu.memref_squeeze %dma_wait3A_1042 : memref<1x1x16xf32, #tpu.memory_space<hbm>> -> memref<16xf32, #tpu.memory_space<hbm>>
    %dma_wait3A_1044 = tpu.memref_slice %arg4[%select_n3A, %dma_wait3A_1039, %mul3A_960] : memref<16x8x128xf32, #tpu.memory_space<hbm>> -> memref<1x1x16xf32, #tpu.memory_space<hbm>>
    %dma_wait3A_1045 = tpu.memref_squeeze %dma_wait3A_1044 : memref<1x1x16xf32, #tpu.memory_space<hbm>> -> memref<16xf32, #tpu.memory_space<hbm>>
    %dma_wait3A_1046 = arith.constant 64 : i32
    %dma_wait3A_1047 = tpu.memref_slice %arg13[%dma_wait3A_1046] : memref<128xf32, #tpu.memory_space<vmem>> -> memref<16xf32, #tpu.memory_space<vmem>>
    tpu.wait_dma2 semaphore(%arg15 : memref<!tpu.dma_semaphore, #tpu.memory_space<semaphore_mem>>) src(%dma_wait3A_1047 : memref<16xf32, #tpu.memory_space<vmem>>) dst(%dma_wait3A_1045 : memref<16xf32, #tpu.memory_space<hbm>>)
    %dma_wait3A_1048 = arith.constant 5 : i32
    %dma_wait3A_1049 = arith.constant 80 : i32
    %dma_wait3A_1050 = tpu.memref_slice %arg13[%dma_wait3A_1049] : memref<128xf32, #tpu.memory_space<vmem>> -> memref<16xf32, #tpu.memory_space<vmem>>
    %dma_wait3A_1051 = tpu.memref_slice %arg4[%select_n3A, %dma_wait3A_1048, %mul3A_971] : memref<16x8x128xf32, #tpu.memory_space<hbm>> -> memref<1x1x16xf32, #tpu.memory_space<hbm>>
    %dma_wait3A_1052 = tpu.memref_squeeze %dma_wait3A_1051 : memref<1x1x16xf32, #tpu.memory_space<hbm>> -> memref<16xf32, #tpu.memory_space<hbm>>
    %dma_wait3A_1053 = tpu.memref_slice %arg4[%select_n3A, %dma_wait3A_1048, %mul3A_971] : memref<16x8x128xf32, #tpu.memory_space<hbm>> -> memref<1x1x16xf32, #tpu.memory_space<hbm>>
    %dma_wait3A_1054 = tpu.memref_squeeze %dma_wait3A_1053 : memref<1x1x16xf32, #tpu.memory_space<hbm>> -> memref<16xf32, #tpu.memory_space<hbm>>
    %dma_wait3A_1055 = arith.constant 80 : i32
    %dma_wait3A_1056 = tpu.memref_slice %arg13[%dma_wait3A_1055] : memref<128xf32, #tpu.memory_space<vmem>> -> memref<16xf32, #tpu.memory_space<vmem>>
    tpu.wait_dma2 semaphore(%arg15 : memref<!tpu.dma_semaphore, #tpu.memory_space<semaphore_mem>>) src(%dma_wait3A_1056 : memref<16xf32, #tpu.memory_space<vmem>>) dst(%dma_wait3A_1054 : memref<16xf32, #tpu.memory_space<hbm>>)
    %dma_wait3A_1057 = arith.constant 6 : i32
    %dma_wait3A_1058 = arith.constant 96 : i32
    %dma_wait3A_1059 = tpu.memref_slice %arg13[%dma_wait3A_1058] : memref<128xf32, #tpu.memory_space<vmem>> -> memref<16xf32, #tpu.memory_space<vmem>>
    %dma_wait3A_1060 = tpu.memref_slice %arg4[%select_n3A, %dma_wait3A_1057, %mul3A_982] : memref<16x8x128xf32, #tpu.memory_space<hbm>> -> memref<1x1x16xf32, #tpu.memory_space<hbm>>
    %dma_wait3A_1061 = tpu.memref_squeeze %dma_wait3A_1060 : memref<1x1x16xf32, #tpu.memory_space<hbm>> -> memref<16xf32, #tpu.memory_space<hbm>>
    %dma_wait3A_1062 = tpu.memref_slice %arg4[%select_n3A, %dma_wait3A_1057, %mul3A_982] : memref<16x8x128xf32, #tpu.memory_space<hbm>> -> memref<1x1x16xf32, #tpu.memory_space<hbm>>
    %dma_wait3A_1063 = tpu.memref_squeeze %dma_wait3A_1062 : memref<1x1x16xf32, #tpu.memory_space<hbm>> -> memref<16xf32, #tpu.memory_space<hbm>>
    %dma_wait3A_1064 = arith.constant 96 : i32
    %dma_wait3A_1065 = tpu.memref_slice %arg13[%dma_wait3A_1064] : memref<128xf32, #tpu.memory_space<vmem>> -> memref<16xf32, #tpu.memory_space<vmem>>
    tpu.wait_dma2 semaphore(%arg15 : memref<!tpu.dma_semaphore, #tpu.memory_space<semaphore_mem>>) src(%dma_wait3A_1065 : memref<16xf32, #tpu.memory_space<vmem>>) dst(%dma_wait3A_1063 : memref<16xf32, #tpu.memory_space<hbm>>)
    %dma_wait3A_1066 = arith.constant 7 : i32
    %dma_wait3A_1067 = arith.constant 112 : i32
    %dma_wait3A_1068 = tpu.memref_slice %arg13[%dma_wait3A_1067] : memref<128xf32, #tpu.memory_space<vmem>> -> memref<16xf32, #tpu.memory_space<vmem>>
    %dma_wait3A_1069 = tpu.memref_slice %arg4[%select_n3A, %dma_wait3A_1066, %mul3A_993] : memref<16x8x128xf32, #tpu.memory_space<hbm>> -> memref<1x1x16xf32, #tpu.memory_space<hbm>>
    %dma_wait3A_1070 = tpu.memref_squeeze %dma_wait3A_1069 : memref<1x1x16xf32, #tpu.memory_space<hbm>> -> memref<16xf32, #tpu.memory_space<hbm>>
    %dma_wait3A_1071 = tpu.memref_slice %arg4[%select_n3A, %dma_wait3A_1066, %mul3A_993] : memref<16x8x128xf32, #tpu.memory_space<hbm>> -> memref<1x1x16xf32, #tpu.memory_space<hbm>>
    %dma_wait3A_1072 = tpu.memref_squeeze %dma_wait3A_1071 : memref<1x1x16xf32, #tpu.memory_space<hbm>> -> memref<16xf32, #tpu.memory_space<hbm>>
    %dma_wait3A_1073 = arith.constant 112 : i32
    %dma_wait3A_1074 = tpu.memref_slice %arg13[%dma_wait3A_1073] : memref<128xf32, #tpu.memory_space<vmem>> -> memref<16xf32, #tpu.memory_space<vmem>>
    tpu.wait_dma2 semaphore(%arg15 : memref<!tpu.dma_semaphore, #tpu.memory_space<semaphore_mem>>) src(%dma_wait3A_1074 : memref<16xf32, #tpu.memory_space<vmem>>) dst(%dma_wait3A_1072 : memref<16xf32, #tpu.memory_space<hbm>>)
    return
  }
}

module attributes {stable_mosaic.version = 14 : i64} {
  func.func @_tc_body(%arg0: i32, %arg1: memref<2x5x1024xf32, #tpu.memory_space<vmem>>, %arg2: memref<2048x80xf32, #tpu.memory_space<vmem>>, %arg3: memref<2x8x128xf32, #tpu.memory_space<vmem>>, %arg4: memref<1x1xf32, #tpu.memory_space<vmem>>, %arg5: memref<1x1xf32, #tpu.memory_space<vmem>>, %arg6: memref<1x1xf32, #tpu.memory_space<vmem>>, %arg7: memref<1x1xf32, #tpu.memory_space<vmem>>, %arg8: memref<8xf32, #tpu.memory_space<smem>>) attributes {dimension_semantics = [#tpu.dimension_semantics<arbitrary>], iteration_bounds = array<i64: 8>, scalar_prefetch = 0 : i64, scratch_operands = 1 : i64, tpu.core_type = #tpu.core_type<tc>, window_params = [{transform_indices = @transform_0, window_bounds = array<i64: 2, 5, 1024>}, {transform_indices = @transform_1, window_bounds = array<i64: 2048, 80>}, {transform_indices = @transform_2, window_bounds = array<i64: 2, 8, 128>}, {pipeline_mode = #tpu.pipeline_mode<synchronous>, transform_indices = @transform_3, window_bounds = array<i64: 1, 1>}, {pipeline_mode = #tpu.pipeline_mode<synchronous>, transform_indices = @transform_4, window_bounds = array<i64: 1, 1>}, {pipeline_mode = #tpu.pipeline_mode<synchronous>, transform_indices = @transform_5, window_bounds = array<i64: 1, 1>}, {pipeline_mode = #tpu.pipeline_mode<synchronous>, transform_indices = @transform_6, window_bounds = array<i64: 1, 1>}]} {
    %get3A = arith.constant 0 : index
    %get3A_0 = arith.constant 0 : index
    %get3A_1 = arith.constant 0 : index
    %get3A_2 = vector.load %arg3[%get3A, %get3A_0, %get3A_1] : memref<2x8x128xf32, #tpu.memory_space<vmem>>, vector<1x8x128xf32>
    %get3A_3 = vector.shape_cast %get3A_2 : vector<1x8x128xf32> to vector<8x128xf32>
    %slice3A = vector.extract_strided_slice %get3A_3 {offsets = [0, 0], sizes = [8, 32], strides = [1, 1]} : vector<8x128xf32> to vector<8x32xf32>
    %get3A_4 = arith.constant 1 : index
    %get3A_5 = arith.constant 0 : index
    %get3A_6 = arith.constant 0 : index
    %get3A_7 = vector.load %arg3[%get3A_4, %get3A_5, %get3A_6] : memref<2x8x128xf32, #tpu.memory_space<vmem>>, vector<1x8x128xf32>
    %get3A_8 = vector.shape_cast %get3A_7 : vector<1x8x128xf32> to vector<8x128xf32>
    %slice3A_9 = vector.extract_strided_slice %get3A_8 {offsets = [0, 0], sizes = [8, 32], strides = [1, 1]} : vector<8x128xf32> to vector<8x32xf32>
    %concatenate3A = tpu.concatenate %slice3A, %slice3A_9 in 1 : vector<8x32xf32>, vector<8x32xf32> -> vector<8x64xf32>
    %slice3A_10 = vector.extract_strided_slice %concatenate3A {offsets = [0, 0], sizes = [1, 64], strides = [1, 1]} : vector<8x64xf32> to vector<1x64xf32>
    %slice3A_11 = vector.extract_strided_slice %concatenate3A {offsets = [1, 0], sizes = [1, 64], strides = [1, 1]} : vector<8x64xf32> to vector<1x64xf32>
    %slice3A_12 = vector.extract_strided_slice %concatenate3A {offsets = [2, 0], sizes = [1, 64], strides = [1, 1]} : vector<8x64xf32> to vector<1x64xf32>
    %slice3A_13 = vector.extract_strided_slice %concatenate3A {offsets = [3, 0], sizes = [1, 64], strides = [1, 1]} : vector<8x64xf32> to vector<1x64xf32>
    %convert_element_type3A = arith.fptosi %slice3A_13 : vector<1x64xf32> to vector<1x64xi32>
    %slice3A_14 = vector.extract_strided_slice %concatenate3A {offsets = [4, 0], sizes = [1, 64], strides = [1, 1]} : vector<8x64xf32> to vector<1x64xf32>
    %slice3A_15 = vector.extract_strided_slice %concatenate3A {offsets = [5, 0], sizes = [1, 64], strides = [1, 1]} : vector<8x64xf32> to vector<1x64xf32>
    %slice3A_16 = vector.extract_strided_slice %concatenate3A {offsets = [6, 0], sizes = [1, 64], strides = [1, 1]} : vector<8x64xf32> to vector<1x64xf32>
    %slice3A_17 = vector.extract_strided_slice %concatenate3A {offsets = [7, 0], sizes = [1, 64], strides = [1, 1]} : vector<8x64xf32> to vector<1x64xf32>
    %convert_element_type3A_18 = arith.fptosi %slice3A_10 : vector<1x64xf32> to vector<1x64xi32>
    %mul3A = arith.constant 2048 : i32
    %mul3A_19 = arith.muli %arg0, %mul3A : i32
    %sub3A = vector.broadcast %mul3A_19 : i32 to vector<1x64xi32>
    %sub3A_20 = arith.subi %convert_element_type3A_18, %sub3A : vector<1x64xi32>
    %iota3A = tpu.iota {dimensions = array<i32: 0>} : vector<2048x64xi32>
    %eq3A = vector.broadcast %sub3A_20 : vector<1x64xi32> to vector<2048x64xi32>
    %eq3A_21 = arith.cmpi eq, %iota3A, %eq3A : vector<2048x64xi32>
    %convert_element_type3A_22 = arith.extui %eq3A_21 : vector<2048x64xi1> to vector<2048x64xi32>
    %convert_element_type3A_23 = arith.sitofp %convert_element_type3A_22 : vector<2048x64xi32> to vector<2048x64xf32>
    %get3A_24 = arith.constant 0 : index
    %get3A_25 = arith.constant 0 : index
    %get3A_26 = arith.constant 0 : index
    %get3A_27 = vector.load %arg1[%get3A_24, %get3A_25, %get3A_26] : memref<2x5x1024xf32, #tpu.memory_space<vmem>>, vector<1x5x1024xf32>
    %get3A_28 = vector.shape_cast %get3A_27 : vector<1x5x1024xf32> to vector<5x1024xf32>
    %get3A_29 = arith.constant 1 : index
    %get3A_30 = arith.constant 0 : index
    %get3A_31 = arith.constant 0 : index
    %get3A_32 = vector.load %arg1[%get3A_29, %get3A_30, %get3A_31] : memref<2x5x1024xf32, #tpu.memory_space<vmem>>, vector<1x5x1024xf32>
    %get3A_33 = vector.shape_cast %get3A_32 : vector<1x5x1024xf32> to vector<5x1024xf32>
    %concatenate3A_34 = tpu.concatenate %get3A_28, %get3A_33 in 1 : vector<5x1024xf32>, vector<5x1024xf32> -> vector<5x2048xf32>
    %dot_general3A = arith.constant dense<0.000000e+00> : vector<5x64xf32>
    %dot_general3A_35 = tpu.matmul %concatenate3A_34, %convert_element_type3A_23, %dot_general3A {dimension_numbers = #tpu.dot_dimension_numbers<[1], [0], [0], [1], [0, 0, 1, 1], [], []>, transpose_lhs_hint = false} : vector<5x2048xf32>, vector<2048x64xf32>, vector<5x64xf32> -> vector<5x64xf32>
    %slice3A_36 = vector.extract_strided_slice %dot_general3A_35 {offsets = [4, 0], sizes = [1, 64], strides = [1, 1]} : vector<5x64xf32> to vector<1x64xf32>
    %get3A_37 = arith.constant 0 : index
    %get3A_38 = arith.constant 0 : index
    %get3A_39 = vector.load %arg2[%get3A_37, %get3A_38] : memref<2048x80xf32, #tpu.memory_space<vmem>>, vector<2048x80xf32>
    %dot_general3A_40 = arith.constant dense<0.000000e+00> : vector<80x64xf32>
    %dot_general3A_41 = tpu.matmul %get3A_39, %convert_element_type3A_23, %dot_general3A_40 {dimension_numbers = #tpu.dot_dimension_numbers<[0], [0], [1], [1], [0, 1, 1, 1], [], []>, transpose_lhs_hint = false} : vector<2048x80xf32>, vector<2048x64xf32>, vector<80x64xf32> -> vector<80x64xf32>
    %reduce_sum3A = vector.shape_cast %slice3A_11 : vector<1x64xf32> to vector<1x1x64xf32>
    %reduce_sum3A_42 = arith.constant dense<0.000000e+00> : vector<1xf32>
    %reduce_sum3A_43 = vector.multi_reduction <add>, %reduce_sum3A, %reduce_sum3A_42 [1, 2] : vector<1x1x64xf32> to vector<1xf32>
    %reduce_sum3A_44 = vector.shape_cast %reduce_sum3A_43 : vector<1xf32> to vector<1x1x1xf32>
    %reduce_sum3A_45 = vector.extract %reduce_sum3A_44[0, 0, 0] : f32 from vector<1x1x1xf32>
    %max3A = arith.constant 0.000000e+00 : f32
    %max3A_46 = vector.broadcast %max3A : f32 to vector<1x64xf32>
    %max3A_47 = arith.maximumf %slice3A_36, %max3A_46 : vector<1x64xf32>
    %abs3A = math.absf %slice3A_36 : vector<1x64xf32>
    %neg3A = arith.constant 0.000000e+00 : f32
    %neg3A_48 = vector.broadcast %neg3A : f32 to vector<1x64xf32>
    %neg3A_49 = arith.subf %neg3A_48, %abs3A : vector<1x64xf32>
    %exp3A = math.exp %neg3A_49 : vector<1x64xf32>
    %log1p3A = math.log1p %exp3A : vector<1x64xf32>
    %add3A = arith.addf %max3A_47, %log1p3A : vector<1x64xf32>
    %sub3A_50 = arith.subf %add3A, %slice3A_36 : vector<1x64xf32>
    %mul3A_51 = arith.mulf %slice3A_11, %sub3A_50 : vector<1x64xf32>
    %reduce_sum3A_52 = vector.shape_cast %mul3A_51 : vector<1x64xf32> to vector<1x1x64xf32>
    %reduce_sum3A_53 = arith.constant dense<0.000000e+00> : vector<1xf32>
    %reduce_sum3A_54 = vector.multi_reduction <add>, %reduce_sum3A_52, %reduce_sum3A_53 [1, 2] : vector<1x1x64xf32> to vector<1xf32>
    %reduce_sum3A_55 = vector.shape_cast %reduce_sum3A_54 : vector<1xf32> to vector<1x1x1xf32>
    %reduce_sum3A_56 = vector.extract %reduce_sum3A_55[0, 0, 0] : f32 from vector<1x1x1xf32>
    %mul3A_57 = arith.mulf %slice3A_11, %add3A : vector<1x64xf32>
    %reduce_sum3A_58 = vector.shape_cast %mul3A_57 : vector<1x64xf32> to vector<1x1x64xf32>
    %reduce_sum3A_59 = arith.constant dense<0.000000e+00> : vector<1xf32>
    %reduce_sum3A_60 = vector.multi_reduction <add>, %reduce_sum3A_58, %reduce_sum3A_59 [1, 2] : vector<1x1x64xf32> to vector<1xf32>
    %reduce_sum3A_61 = vector.shape_cast %reduce_sum3A_60 : vector<1xf32> to vector<1x1x1xf32>
    %reduce_sum3A_62 = vector.extract %reduce_sum3A_61[0, 0, 0] : f32 from vector<1x1x1xf32>
    %slice3A_63 = vector.extract_strided_slice %concatenate3A_34 {offsets = [4, 0], sizes = [1, 2048], strides = [1, 1]} : vector<5x2048xf32> to vector<1x2048xf32>
    %max3A_64 = arith.constant 0.000000e+00 : f32
    %max3A_65 = vector.broadcast %max3A_64 : f32 to vector<1x2048xf32>
    %max3A_66 = arith.maximumf %slice3A_63, %max3A_65 : vector<1x2048xf32>
    %abs3A_67 = math.absf %slice3A_63 : vector<1x2048xf32>
    %neg3A_68 = arith.constant 0.000000e+00 : f32
    %neg3A_69 = vector.broadcast %neg3A_68 : f32 to vector<1x2048xf32>
    %neg3A_70 = arith.subf %neg3A_69, %abs3A_67 : vector<1x2048xf32>
    %exp3A_71 = math.exp %neg3A_70 : vector<1x2048xf32>
    %log1p3A_72 = math.log1p %exp3A_71 : vector<1x2048xf32>
    %add3A_73 = arith.addf %max3A_66, %log1p3A_72 : vector<1x2048xf32>
    %reduce_sum3A_74 = vector.shape_cast %add3A_73 : vector<1x2048xf32> to vector<1x1x2048xf32>
    %reduce_sum3A_75 = arith.constant dense<0.000000e+00> : vector<1xf32>
    %reduce_sum3A_76 = vector.multi_reduction <add>, %reduce_sum3A_74, %reduce_sum3A_75 [1, 2] : vector<1x1x2048xf32> to vector<1xf32>
    %reduce_sum3A_77 = vector.shape_cast %reduce_sum3A_76 : vector<1xf32> to vector<1x1x1xf32>
    %reduce_sum3A_78 = vector.extract %reduce_sum3A_77[0, 0, 0] : f32 from vector<1x1x1xf32>
    %slice3A_79 = vector.extract_strided_slice %dot_general3A_35 {offsets = [0, 0], sizes = [4, 64], strides = [1, 1]} : vector<5x64xf32> to vector<4x64xf32>
    %neg3A_80 = arith.constant 0.000000e+00 : f32
    %neg3A_81 = vector.broadcast %neg3A_80 : f32 to vector<4x64xf32>
    %neg3A_82 = arith.subf %neg3A_81, %slice3A_79 : vector<4x64xf32>
    %exp3A_83 = math.exp %neg3A_82 : vector<4x64xf32>
    %add3A_84 = arith.constant 1.000000e+00 : f32
    %add3A_85 = vector.broadcast %add3A_84 : f32 to vector<4x64xf32>
    %add3A_86 = arith.addf %add3A_85, %exp3A_83 : vector<4x64xf32>
    %div3A = arith.constant 1.000000e+00 : f32
    %div3A_87 = vector.broadcast %div3A : f32 to vector<4x64xf32>
    %div3A_88 = arith.divf %div3A_87, %add3A_86 : vector<4x64xf32>
    %slice3A_89 = vector.extract_strided_slice %div3A_88 {offsets = [0, 0], sizes = [1, 64], strides = [1, 1]} : vector<4x64xf32> to vector<1x64xf32>
    %slice3A_90 = vector.extract_strided_slice %div3A_88 {offsets = [1, 0], sizes = [1, 64], strides = [1, 1]} : vector<4x64xf32> to vector<1x64xf32>
    %slice3A_91 = vector.extract_strided_slice %div3A_88 {offsets = [2, 0], sizes = [1, 64], strides = [1, 1]} : vector<4x64xf32> to vector<1x64xf32>
    %slice3A_92 = vector.extract_strided_slice %div3A_88 {offsets = [3, 0], sizes = [1, 64], strides = [1, 1]} : vector<4x64xf32> to vector<1x64xf32>
    %div3A_93 = arith.constant 2.000000e+00 : f32
    %div3A_94 = vector.broadcast %div3A_93 : f32 to vector<1x64xf32>
    %div3A_95 = arith.divf %slice3A_91, %div3A_94 : vector<1x64xf32>
    %sub3A_96 = arith.subf %slice3A_89, %div3A_95 : vector<1x64xf32>
    %div3A_97 = arith.constant 2.000000e+00 : f32
    %div3A_98 = vector.broadcast %div3A_97 : f32 to vector<1x64xf32>
    %div3A_99 = arith.divf %slice3A_92, %div3A_98 : vector<1x64xf32>
    %sub3A_100 = arith.subf %slice3A_90, %div3A_99 : vector<1x64xf32>
    %div3A_101 = arith.constant 2.000000e+00 : f32
    %div3A_102 = vector.broadcast %div3A_101 : f32 to vector<1x64xf32>
    %div3A_103 = arith.divf %slice3A_91, %div3A_102 : vector<1x64xf32>
    %add3A_104 = arith.addf %slice3A_89, %div3A_103 : vector<1x64xf32>
    %div3A_105 = arith.constant 2.000000e+00 : f32
    %div3A_106 = vector.broadcast %div3A_105 : f32 to vector<1x64xf32>
    %div3A_107 = arith.divf %slice3A_92, %div3A_106 : vector<1x64xf32>
    %add3A_108 = arith.addf %slice3A_90, %div3A_107 : vector<1x64xf32>
    %div3A_109 = arith.constant 2.000000e+00 : f32
    %div3A_110 = vector.broadcast %div3A_109 : f32 to vector<1x64xf32>
    %div3A_111 = arith.divf %slice3A_16, %div3A_110 : vector<1x64xf32>
    %sub3A_112 = arith.subf %slice3A_14, %div3A_111 : vector<1x64xf32>
    %div3A_113 = arith.constant 2.000000e+00 : f32
    %div3A_114 = vector.broadcast %div3A_113 : f32 to vector<1x64xf32>
    %div3A_115 = arith.divf %slice3A_17, %div3A_114 : vector<1x64xf32>
    %sub3A_116 = arith.subf %slice3A_15, %div3A_115 : vector<1x64xf32>
    %div3A_117 = arith.constant 2.000000e+00 : f32
    %div3A_118 = vector.broadcast %div3A_117 : f32 to vector<1x64xf32>
    %div3A_119 = arith.divf %slice3A_16, %div3A_118 : vector<1x64xf32>
    %add3A_120 = arith.addf %slice3A_14, %div3A_119 : vector<1x64xf32>
    %div3A_121 = arith.constant 2.000000e+00 : f32
    %div3A_122 = vector.broadcast %div3A_121 : f32 to vector<1x64xf32>
    %div3A_123 = arith.divf %slice3A_17, %div3A_122 : vector<1x64xf32>
    %add3A_124 = arith.addf %slice3A_15, %div3A_123 : vector<1x64xf32>
    %sub3A_125 = arith.subf %add3A_104, %sub3A_96 : vector<1x64xf32>
    %sub3A_126 = arith.subf %add3A_108, %sub3A_100 : vector<1x64xf32>
    %sub3A_127 = arith.subf %add3A_120, %sub3A_112 : vector<1x64xf32>
    %sub3A_128 = arith.subf %add3A_124, %sub3A_116 : vector<1x64xf32>
    %min3A = arith.minimumf %add3A_104, %add3A_120 : vector<1x64xf32>
    %max3A_129 = arith.maximumf %sub3A_96, %sub3A_112 : vector<1x64xf32>
    %sub3A_130 = arith.subf %min3A, %max3A_129 : vector<1x64xf32>
    %max3A_131 = arith.constant 0.000000e+00 : f32
    %max3A_132 = vector.broadcast %max3A_131 : f32 to vector<1x64xf32>
    %max3A_133 = arith.maximumf %sub3A_130, %max3A_132 : vector<1x64xf32>
    %min3A_134 = arith.minimumf %add3A_108, %add3A_124 : vector<1x64xf32>
    %max3A_135 = arith.maximumf %sub3A_100, %sub3A_116 : vector<1x64xf32>
    %sub3A_136 = arith.subf %min3A_134, %max3A_135 : vector<1x64xf32>
    %max3A_137 = arith.constant 0.000000e+00 : f32
    %max3A_138 = vector.broadcast %max3A_137 : f32 to vector<1x64xf32>
    %max3A_139 = arith.maximumf %sub3A_136, %max3A_138 : vector<1x64xf32>
    %mul3A_140 = arith.mulf %max3A_133, %max3A_139 : vector<1x64xf32>
    %mul3A_141 = arith.mulf %sub3A_125, %sub3A_126 : vector<1x64xf32>
    %mul3A_142 = arith.mulf %sub3A_127, %sub3A_128 : vector<1x64xf32>
    %add3A_143 = arith.addf %mul3A_141, %mul3A_142 : vector<1x64xf32>
    %sub3A_144 = arith.subf %add3A_143, %mul3A_140 : vector<1x64xf32>
    %add3A_145 = arith.constant 1.000000e-07 : f32
    %add3A_146 = vector.broadcast %add3A_145 : f32 to vector<1x64xf32>
    %add3A_147 = arith.addf %sub3A_144, %add3A_146 : vector<1x64xf32>
    %div3A_148 = arith.divf %mul3A_140, %add3A_147 : vector<1x64xf32>
    %max3A_149 = arith.maximumf %add3A_104, %add3A_120 : vector<1x64xf32>
    %min3A_150 = arith.minimumf %sub3A_96, %sub3A_112 : vector<1x64xf32>
    %sub3A_151 = arith.subf %max3A_149, %min3A_150 : vector<1x64xf32>
    %max3A_152 = arith.maximumf %add3A_108, %add3A_124 : vector<1x64xf32>
    %min3A_153 = arith.minimumf %sub3A_100, %sub3A_116 : vector<1x64xf32>
    %sub3A_154 = arith.subf %max3A_152, %min3A_153 : vector<1x64xf32>
    %mul3A_155 = arith.mulf %sub3A_151, %sub3A_151 : vector<1x64xf32>
    %mul3A_156 = arith.mulf %sub3A_154, %sub3A_154 : vector<1x64xf32>
    %add3A_157 = arith.addf %mul3A_155, %mul3A_156 : vector<1x64xf32>
    %add3A_158 = arith.constant 1.000000e-07 : f32
    %add3A_159 = vector.broadcast %add3A_158 : f32 to vector<1x64xf32>
    %add3A_160 = arith.addf %add3A_157, %add3A_159 : vector<1x64xf32>
    %add3A_161 = arith.addf %sub3A_112, %add3A_120 : vector<1x64xf32>
    %sub3A_162 = arith.subf %add3A_161, %sub3A_96 : vector<1x64xf32>
    %sub3A_163 = arith.subf %sub3A_162, %add3A_104 : vector<1x64xf32>
    %integer_pow3A = arith.mulf %sub3A_163, %sub3A_163 : vector<1x64xf32>
    %add3A_164 = arith.addf %sub3A_116, %add3A_124 : vector<1x64xf32>
    %sub3A_165 = arith.subf %add3A_164, %sub3A_100 : vector<1x64xf32>
    %sub3A_166 = arith.subf %sub3A_165, %add3A_108 : vector<1x64xf32>
    %integer_pow3A_167 = arith.mulf %sub3A_166, %sub3A_166 : vector<1x64xf32>
    %add3A_168 = arith.addf %integer_pow3A, %integer_pow3A_167 : vector<1x64xf32>
    %div3A_169 = arith.constant 4.000000e+00 : f32
    %div3A_170 = vector.broadcast %div3A_169 : f32 to vector<1x64xf32>
    %div3A_171 = arith.divf %add3A_168, %div3A_170 : vector<1x64xf32>
    %add3A_172 = arith.constant 1.000000e-07 : f32
    %add3A_173 = vector.broadcast %add3A_172 : f32 to vector<1x64xf32>
    %add3A_174 = arith.addf %sub3A_128, %add3A_173 : vector<1x64xf32>
    %div3A_175 = arith.divf %sub3A_127, %add3A_174 : vector<1x64xf32>
    %gt3A = arith.constant 2.41421366 : f32
    %gt3A_176 = vector.broadcast %gt3A : f32 to vector<1x64xf32>
    %gt3A_177 = arith.cmpf ogt, %div3A_175, %gt3A_176 : vector<1x64xf32>
    %gt3A_178 = arith.constant 0.414213568 : f32
    %gt3A_179 = vector.broadcast %gt3A_178 : f32 to vector<1x64xf32>
    %gt3A_180 = arith.cmpf ogt, %div3A_175, %gt3A_179 : vector<1x64xf32>
    %add3A_181 = arith.constant 1.000000e-30 : f32
    %add3A_182 = vector.broadcast %add3A_181 : f32 to vector<1x64xf32>
    %add3A_183 = arith.addf %div3A_175, %add3A_182 : vector<1x64xf32>
    %div3A_184 = arith.constant -1.000000e+00 : f32
    %div3A_185 = vector.broadcast %div3A_184 : f32 to vector<1x64xf32>
    %div3A_186 = arith.divf %div3A_185, %add3A_183 : vector<1x64xf32>
    %sub3A_187 = arith.constant 1.000000e+00 : f32
    %sub3A_188 = vector.broadcast %sub3A_187 : f32 to vector<1x64xf32>
    %sub3A_189 = arith.subf %div3A_175, %sub3A_188 : vector<1x64xf32>
    %add3A_190 = arith.constant 1.000000e+00 : f32
    %add3A_191 = vector.broadcast %add3A_190 : f32 to vector<1x64xf32>
    %add3A_192 = arith.addf %div3A_175, %add3A_191 : vector<1x64xf32>
    %div3A_193 = arith.divf %sub3A_189, %add3A_192 : vector<1x64xf32>
    %select_n3A = arith.select %gt3A_180, %div3A_193, %div3A_175 : vector<1x64xi1>, vector<1x64xf32>
    %select_n3A_194 = arith.select %gt3A_177, %div3A_186, %select_n3A : vector<1x64xi1>, vector<1x64xf32>
    %jit3A = arith.constant 0.785398185 : f32
    %jit3A_195 = arith.constant 0.000000e+00 : f32
    %broadcast_in_dim3A = vector.broadcast %jit3A : f32 to vector<1x64xf32>
    %broadcast_in_dim3A_196 = vector.broadcast %jit3A_195 : f32 to vector<1x64xf32>
    %select_n3A_197 = arith.select %gt3A_180, %broadcast_in_dim3A, %broadcast_in_dim3A_196 : vector<1x64xi1>, vector<1x64xf32>
    %jit3A_198 = arith.constant 1.57079637 : f32
    %broadcast_in_dim3A_199 = vector.broadcast %jit3A_198 : f32 to vector<1x64xf32>
    %select_n3A_200 = arith.select %gt3A_177, %broadcast_in_dim3A_199, %select_n3A_197 : vector<1x64xi1>, vector<1x64xf32>
    %mul3A_201 = arith.mulf %select_n3A_194, %select_n3A_194 : vector<1x64xf32>
    %mul3A_202 = arith.constant 0.0805374458 : f32
    %mul3A_203 = vector.broadcast %mul3A_202 : f32 to vector<1x64xf32>
    %mul3A_204 = arith.mulf %mul3A_203, %mul3A_201 : vector<1x64xf32>
    %sub3A_205 = arith.constant 0.138776854 : f32
    %sub3A_206 = vector.broadcast %sub3A_205 : f32 to vector<1x64xf32>
    %sub3A_207 = arith.subf %mul3A_204, %sub3A_206 : vector<1x64xf32>
    %mul3A_208 = arith.mulf %sub3A_207, %mul3A_201 : vector<1x64xf32>
    %add3A_209 = arith.constant 0.199777111 : f32
    %add3A_210 = vector.broadcast %add3A_209 : f32 to vector<1x64xf32>
    %add3A_211 = arith.addf %mul3A_208, %add3A_210 : vector<1x64xf32>
    %mul3A_212 = arith.mulf %add3A_211, %mul3A_201 : vector<1x64xf32>
    %sub3A_213 = arith.constant 0.333329499 : f32
    %sub3A_214 = vector.broadcast %sub3A_213 : f32 to vector<1x64xf32>
    %sub3A_215 = arith.subf %mul3A_212, %sub3A_214 : vector<1x64xf32>
    %mul3A_216 = arith.mulf %sub3A_215, %mul3A_201 : vector<1x64xf32>
    %mul3A_217 = arith.mulf %mul3A_216, %select_n3A_194 : vector<1x64xf32>
    %add3A_218 = arith.addf %mul3A_217, %select_n3A_194 : vector<1x64xf32>
    %add3A_219 = arith.addf %select_n3A_200, %add3A_218 : vector<1x64xf32>
    %add3A_220 = arith.constant 1.000000e-07 : f32
    %add3A_221 = vector.broadcast %add3A_220 : f32 to vector<1x64xf32>
    %add3A_222 = arith.addf %sub3A_126, %add3A_221 : vector<1x64xf32>
    %div3A_223 = arith.divf %sub3A_125, %add3A_222 : vector<1x64xf32>
    %gt3A_224 = arith.constant 2.41421366 : f32
    %gt3A_225 = vector.broadcast %gt3A_224 : f32 to vector<1x64xf32>
    %gt3A_226 = arith.cmpf ogt, %div3A_223, %gt3A_225 : vector<1x64xf32>
    %gt3A_227 = arith.constant 0.414213568 : f32
    %gt3A_228 = vector.broadcast %gt3A_227 : f32 to vector<1x64xf32>
    %gt3A_229 = arith.cmpf ogt, %div3A_223, %gt3A_228 : vector<1x64xf32>
    %add3A_230 = arith.constant 1.000000e-30 : f32
    %add3A_231 = vector.broadcast %add3A_230 : f32 to vector<1x64xf32>
    %add3A_232 = arith.addf %div3A_223, %add3A_231 : vector<1x64xf32>
    %div3A_233 = arith.constant -1.000000e+00 : f32
    %div3A_234 = vector.broadcast %div3A_233 : f32 to vector<1x64xf32>
    %div3A_235 = arith.divf %div3A_234, %add3A_232 : vector<1x64xf32>
    %sub3A_236 = arith.constant 1.000000e+00 : f32
    %sub3A_237 = vector.broadcast %sub3A_236 : f32 to vector<1x64xf32>
    %sub3A_238 = arith.subf %div3A_223, %sub3A_237 : vector<1x64xf32>
    %add3A_239 = arith.constant 1.000000e+00 : f32
    %add3A_240 = vector.broadcast %add3A_239 : f32 to vector<1x64xf32>
    %add3A_241 = arith.addf %div3A_223, %add3A_240 : vector<1x64xf32>
    %div3A_242 = arith.divf %sub3A_238, %add3A_241 : vector<1x64xf32>
    %select_n3A_243 = arith.select %gt3A_229, %div3A_242, %div3A_223 : vector<1x64xi1>, vector<1x64xf32>
    %select_n3A_244 = arith.select %gt3A_226, %div3A_235, %select_n3A_243 : vector<1x64xi1>, vector<1x64xf32>
    %jit3A_245 = arith.constant 0.785398185 : f32
    %jit3A_246 = arith.constant 0.000000e+00 : f32
    %broadcast_in_dim3A_247 = vector.broadcast %jit3A_245 : f32 to vector<1x64xf32>
    %broadcast_in_dim3A_248 = vector.broadcast %jit3A_246 : f32 to vector<1x64xf32>
    %select_n3A_249 = arith.select %gt3A_229, %broadcast_in_dim3A_247, %broadcast_in_dim3A_248 : vector<1x64xi1>, vector<1x64xf32>
    %jit3A_250 = arith.constant 1.57079637 : f32
    %broadcast_in_dim3A_251 = vector.broadcast %jit3A_250 : f32 to vector<1x64xf32>
    %select_n3A_252 = arith.select %gt3A_226, %broadcast_in_dim3A_251, %select_n3A_249 : vector<1x64xi1>, vector<1x64xf32>
    %mul3A_253 = arith.mulf %select_n3A_244, %select_n3A_244 : vector<1x64xf32>
    %mul3A_254 = arith.constant 0.0805374458 : f32
    %mul3A_255 = vector.broadcast %mul3A_254 : f32 to vector<1x64xf32>
    %mul3A_256 = arith.mulf %mul3A_255, %mul3A_253 : vector<1x64xf32>
    %sub3A_257 = arith.constant 0.138776854 : f32
    %sub3A_258 = vector.broadcast %sub3A_257 : f32 to vector<1x64xf32>
    %sub3A_259 = arith.subf %mul3A_256, %sub3A_258 : vector<1x64xf32>
    %mul3A_260 = arith.mulf %sub3A_259, %mul3A_253 : vector<1x64xf32>
    %add3A_261 = arith.constant 0.199777111 : f32
    %add3A_262 = vector.broadcast %add3A_261 : f32 to vector<1x64xf32>
    %add3A_263 = arith.addf %mul3A_260, %add3A_262 : vector<1x64xf32>
    %mul3A_264 = arith.mulf %add3A_263, %mul3A_253 : vector<1x64xf32>
    %sub3A_265 = arith.constant 0.333329499 : f32
    %sub3A_266 = vector.broadcast %sub3A_265 : f32 to vector<1x64xf32>
    %sub3A_267 = arith.subf %mul3A_264, %sub3A_266 : vector<1x64xf32>
    %mul3A_268 = arith.mulf %sub3A_267, %mul3A_253 : vector<1x64xf32>
    %mul3A_269 = arith.mulf %mul3A_268, %select_n3A_244 : vector<1x64xf32>
    %add3A_270 = arith.addf %mul3A_269, %select_n3A_244 : vector<1x64xf32>
    %add3A_271 = arith.addf %select_n3A_252, %add3A_270 : vector<1x64xf32>
    %sub3A_272 = arith.subf %add3A_219, %add3A_271 : vector<1x64xf32>
    %integer_pow3A_273 = arith.mulf %sub3A_272, %sub3A_272 : vector<1x64xf32>
    %mul3A_274 = arith.constant 0.405284733 : f32
    %mul3A_275 = vector.broadcast %mul3A_274 : f32 to vector<1x64xf32>
    %mul3A_276 = arith.mulf %mul3A_275, %integer_pow3A_273 : vector<1x64xf32>
    %sub3A_277 = arith.constant 1.000000e+00 : f32
    %sub3A_278 = vector.broadcast %sub3A_277 : f32 to vector<1x64xf32>
    %sub3A_279 = arith.subf %sub3A_278, %div3A_148 : vector<1x64xf32>
    %add3A_280 = arith.addf %sub3A_279, %mul3A_276 : vector<1x64xf32>
    %add3A_281 = arith.constant 1.000000e-07 : f32
    %add3A_282 = vector.broadcast %add3A_281 : f32 to vector<1x64xf32>
    %add3A_283 = arith.addf %add3A_280, %add3A_282 : vector<1x64xf32>
    %div3A_284 = arith.divf %mul3A_276, %add3A_283 : vector<1x64xf32>
    %div3A_285 = arith.divf %div3A_171, %add3A_160 : vector<1x64xf32>
    %mul3A_286 = arith.mulf %div3A_284, %mul3A_276 : vector<1x64xf32>
    %add3A_287 = arith.addf %div3A_285, %mul3A_286 : vector<1x64xf32>
    %sub3A_288 = arith.subf %div3A_148, %add3A_287 : vector<1x64xf32>
    %sub3A_289 = arith.constant 1.000000e+00 : f32
    %sub3A_290 = vector.broadcast %sub3A_289 : f32 to vector<1x64xf32>
    %sub3A_291 = arith.subf %sub3A_290, %sub3A_288 : vector<1x64xf32>
    %mul3A_292 = arith.mulf %slice3A_11, %sub3A_291 : vector<1x64xf32>
    %reduce_sum3A_293 = vector.shape_cast %mul3A_292 : vector<1x64xf32> to vector<1x1x64xf32>
    %reduce_sum3A_294 = arith.constant dense<0.000000e+00> : vector<1xf32>
    %reduce_sum3A_295 = vector.multi_reduction <add>, %reduce_sum3A_293, %reduce_sum3A_294 [1, 2] : vector<1x1x64xf32> to vector<1xf32>
    %reduce_sum3A_296 = vector.shape_cast %reduce_sum3A_295 : vector<1xf32> to vector<1x1x1xf32>
    %reduce_sum3A_297 = vector.extract %reduce_sum3A_296[0, 0, 0] : f32 from vector<1x1x1xf32>
    %max3A_298 = arith.constant 0.000000e+00 : f32
    %max3A_299 = vector.broadcast %max3A_298 : f32 to vector<80x64xf32>
    %max3A_300 = arith.maximumf %dot_general3A_41, %max3A_299 : vector<80x64xf32>
    %abs3A_301 = math.absf %dot_general3A_41 : vector<80x64xf32>
    %neg3A_302 = arith.constant 0.000000e+00 : f32
    %neg3A_303 = vector.broadcast %neg3A_302 : f32 to vector<80x64xf32>
    %neg3A_304 = arith.subf %neg3A_303, %abs3A_301 : vector<80x64xf32>
    %exp3A_305 = math.exp %neg3A_304 : vector<80x64xf32>
    %log1p3A_306 = math.log1p %exp3A_305 : vector<80x64xf32>
    %add3A_307 = arith.addf %max3A_300, %log1p3A_306 : vector<80x64xf32>
    %reduce_sum3A_308 = arith.constant dense<0.000000e+00> : vector<64xf32>
    %reduce_sum3A_309 = vector.multi_reduction <add>, %add3A_307, %reduce_sum3A_308 [0] : vector<80x64xf32> to vector<64xf32>
    %broadcast_in_dim3A_310 = vector.shape_cast %reduce_sum3A_309 : vector<64xf32> to vector<1x64xf32>
    %iota3A_311 = tpu.iota {dimensions = array<i32: 0>} : vector<80x64xi32>
    %eq3A_312 = vector.broadcast %convert_element_type3A : vector<1x64xi32> to vector<80x64xi32>
    %eq3A_313 = arith.cmpi eq, %iota3A_311, %eq3A_312 : vector<80x64xi32>
    %convert_element_type3A_314 = arith.extui %eq3A_313 : vector<80x64xi1> to vector<80x64xi32>
    %convert_element_type3A_315 = arith.sitofp %convert_element_type3A_314 : vector<80x64xi32> to vector<80x64xf32>
    %mul3A_316 = arith.mulf %dot_general3A_41, %convert_element_type3A_315 : vector<80x64xf32>
    %reduce_sum3A_317 = arith.constant dense<0.000000e+00> : vector<64xf32>
    %reduce_sum3A_318 = vector.multi_reduction <add>, %mul3A_316, %reduce_sum3A_317 [0] : vector<80x64xf32> to vector<64xf32>
    %broadcast_in_dim3A_319 = vector.shape_cast %reduce_sum3A_318 : vector<64xf32> to vector<1x64xf32>
    %mul3A_320 = arith.mulf %slice3A_11, %broadcast_in_dim3A_310 : vector<1x64xf32>
    %reduce_sum3A_321 = vector.shape_cast %mul3A_320 : vector<1x64xf32> to vector<1x1x64xf32>
    %reduce_sum3A_322 = arith.constant dense<0.000000e+00> : vector<1xf32>
    %reduce_sum3A_323 = vector.multi_reduction <add>, %reduce_sum3A_321, %reduce_sum3A_322 [1, 2] : vector<1x1x64xf32> to vector<1xf32>
    %reduce_sum3A_324 = vector.shape_cast %reduce_sum3A_323 : vector<1xf32> to vector<1x1x1xf32>
    %reduce_sum3A_325 = vector.extract %reduce_sum3A_324[0, 0, 0] : f32 from vector<1x1x1xf32>
    %mul3A_326 = arith.mulf %slice3A_12, %broadcast_in_dim3A_319 : vector<1x64xf32>
    %reduce_sum3A_327 = vector.shape_cast %mul3A_326 : vector<1x64xf32> to vector<1x1x64xf32>
    %reduce_sum3A_328 = arith.constant dense<0.000000e+00> : vector<1xf32>
    %reduce_sum3A_329 = vector.multi_reduction <add>, %reduce_sum3A_327, %reduce_sum3A_328 [1, 2] : vector<1x1x64xf32> to vector<1xf32>
    %reduce_sum3A_330 = vector.shape_cast %reduce_sum3A_329 : vector<1xf32> to vector<1x1x1xf32>
    %reduce_sum3A_331 = vector.extract %reduce_sum3A_330[0, 0, 0] : f32 from vector<1x1x1xf32>
    %eq3A_332 = arith.constant 0 : i32
    %eq3A_333 = arith.cmpi eq, %arg0, %eq3A_332 : i32
    %get3A_334 = arith.constant 0 : index
    %get3A_335 = memref.load %arg8[%get3A_334] : memref<8xf32, #tpu.memory_space<smem>>
    %add3A_336 = arith.addf %get3A_335, %reduce_sum3A_45 : f32
    %select_n3A_337 = arith.select %eq3A_333, %reduce_sum3A_45, %add3A_336 : f32
    %swap3A = arith.constant 0 : index
    %swap3A_338 = memref.load %arg8[%swap3A] : memref<8xf32, #tpu.memory_space<smem>>
    memref.store %select_n3A_337, %arg8[%swap3A] : memref<8xf32, #tpu.memory_space<smem>>
    %eq3A_339 = arith.constant 0 : i32
    %eq3A_340 = arith.cmpi eq, %arg0, %eq3A_339 : i32
    %get3A_341 = arith.constant 1 : index
    %get3A_342 = memref.load %arg8[%get3A_341] : memref<8xf32, #tpu.memory_space<smem>>
    %add3A_343 = arith.addf %get3A_342, %reduce_sum3A_56 : f32
    %select_n3A_344 = arith.select %eq3A_340, %reduce_sum3A_56, %add3A_343 : f32
    %swap3A_345 = arith.constant 1 : index
    %swap3A_346 = memref.load %arg8[%swap3A_345] : memref<8xf32, #tpu.memory_space<smem>>
    memref.store %select_n3A_344, %arg8[%swap3A_345] : memref<8xf32, #tpu.memory_space<smem>>
    %eq3A_347 = arith.constant 0 : i32
    %eq3A_348 = arith.cmpi eq, %arg0, %eq3A_347 : i32
    %get3A_349 = arith.constant 2 : index
    %get3A_350 = memref.load %arg8[%get3A_349] : memref<8xf32, #tpu.memory_space<smem>>
    %add3A_351 = arith.addf %get3A_350, %reduce_sum3A_62 : f32
    %select_n3A_352 = arith.select %eq3A_348, %reduce_sum3A_62, %add3A_351 : f32
    %swap3A_353 = arith.constant 2 : index
    %swap3A_354 = memref.load %arg8[%swap3A_353] : memref<8xf32, #tpu.memory_space<smem>>
    memref.store %select_n3A_352, %arg8[%swap3A_353] : memref<8xf32, #tpu.memory_space<smem>>
    %eq3A_355 = arith.constant 0 : i32
    %eq3A_356 = arith.cmpi eq, %arg0, %eq3A_355 : i32
    %get3A_357 = arith.constant 3 : index
    %get3A_358 = memref.load %arg8[%get3A_357] : memref<8xf32, #tpu.memory_space<smem>>
    %add3A_359 = arith.addf %get3A_358, %reduce_sum3A_78 : f32
    %select_n3A_360 = arith.select %eq3A_356, %reduce_sum3A_78, %add3A_359 : f32
    %swap3A_361 = arith.constant 3 : index
    %swap3A_362 = memref.load %arg8[%swap3A_361] : memref<8xf32, #tpu.memory_space<smem>>
    memref.store %select_n3A_360, %arg8[%swap3A_361] : memref<8xf32, #tpu.memory_space<smem>>
    %eq3A_363 = arith.constant 0 : i32
    %eq3A_364 = arith.cmpi eq, %arg0, %eq3A_363 : i32
    %get3A_365 = arith.constant 4 : index
    %get3A_366 = memref.load %arg8[%get3A_365] : memref<8xf32, #tpu.memory_space<smem>>
    %add3A_367 = arith.addf %get3A_366, %reduce_sum3A_297 : f32
    %select_n3A_368 = arith.select %eq3A_364, %reduce_sum3A_297, %add3A_367 : f32
    %swap3A_369 = arith.constant 4 : index
    %swap3A_370 = memref.load %arg8[%swap3A_369] : memref<8xf32, #tpu.memory_space<smem>>
    memref.store %select_n3A_368, %arg8[%swap3A_369] : memref<8xf32, #tpu.memory_space<smem>>
    %eq3A_371 = arith.constant 0 : i32
    %eq3A_372 = arith.cmpi eq, %arg0, %eq3A_371 : i32
    %get3A_373 = arith.constant 5 : index
    %get3A_374 = memref.load %arg8[%get3A_373] : memref<8xf32, #tpu.memory_space<smem>>
    %add3A_375 = arith.addf %get3A_374, %reduce_sum3A_325 : f32
    %select_n3A_376 = arith.select %eq3A_372, %reduce_sum3A_325, %add3A_375 : f32
    %swap3A_377 = arith.constant 5 : index
    %swap3A_378 = memref.load %arg8[%swap3A_377] : memref<8xf32, #tpu.memory_space<smem>>
    memref.store %select_n3A_376, %arg8[%swap3A_377] : memref<8xf32, #tpu.memory_space<smem>>
    %eq3A_379 = arith.constant 0 : i32
    %eq3A_380 = arith.cmpi eq, %arg0, %eq3A_379 : i32
    %get3A_381 = arith.constant 6 : index
    %get3A_382 = memref.load %arg8[%get3A_381] : memref<8xf32, #tpu.memory_space<smem>>
    %add3A_383 = arith.addf %get3A_382, %reduce_sum3A_331 : f32
    %select_n3A_384 = arith.select %eq3A_380, %reduce_sum3A_331, %add3A_383 : f32
    %swap3A_385 = arith.constant 6 : index
    %swap3A_386 = memref.load %arg8[%swap3A_385] : memref<8xf32, #tpu.memory_space<smem>>
    memref.store %select_n3A_384, %arg8[%swap3A_385] : memref<8xf32, #tpu.memory_space<smem>>
    %eq3A_387 = arith.constant 7 : i32
    %eq3A_388 = arith.cmpi eq, %arg0, %eq3A_387 : i32
    %convert_element_type3A_389 = arith.extui %eq3A_388 : i1 to i32
    %cond3A = arith.constant 0 : i32
    %cond3A_390 = arith.cmpi ne, %convert_element_type3A_389, %cond3A : i32
    scf.if %cond3A_390 {
      %get3A_391 = arith.constant 0 : index
      %get3A_392 = memref.load %arg8[%get3A_391] : memref<8xf32, #tpu.memory_space<smem>>
      %max3A_393 = arith.constant 1.000000e+00 : f32
      %max3A_394 = arith.maximumf %get3A_392, %max3A_393 : f32
      %get3A_395 = arith.constant 0 : index
      %get3A_396 = memref.load %arg8[%get3A_395] : memref<8xf32, #tpu.memory_space<smem>>
      %sub3A_397 = arith.constant 1.638400e+04 : f32
      %sub3A_398 = arith.subf %sub3A_397, %get3A_396 : f32
      %max3A_399 = arith.constant 1.000000e+00 : f32
      %max3A_400 = arith.maximumf %sub3A_398, %max3A_399 : f32
      %get3A_401 = arith.constant 1 : index
      %get3A_402 = memref.load %arg8[%get3A_401] : memref<8xf32, #tpu.memory_space<smem>>
      %div3A_403 = arith.divf %get3A_402, %max3A_394 : f32
      %get3A_404 = arith.constant 3 : index
      %get3A_405 = memref.load %arg8[%get3A_404] : memref<8xf32, #tpu.memory_space<smem>>
      %get3A_406 = arith.constant 2 : index
      %get3A_407 = memref.load %arg8[%get3A_406] : memref<8xf32, #tpu.memory_space<smem>>
      %sub3A_408 = arith.subf %get3A_405, %get3A_407 : f32
      %mul3A_409 = arith.constant 5.000000e-01 : f32
      %mul3A_410 = arith.mulf %mul3A_409, %sub3A_408 : f32
      %div3A_411 = arith.divf %mul3A_410, %max3A_400 : f32
      %add3A_412 = arith.addf %div3A_403, %div3A_411 : f32
      %get3A_413 = arith.constant 4 : index
      %get3A_414 = memref.load %arg8[%get3A_413] : memref<8xf32, #tpu.memory_space<smem>>
      %div3A_415 = arith.divf %get3A_414, %max3A_394 : f32
      %get3A_416 = arith.constant 5 : index
      %get3A_417 = memref.load %arg8[%get3A_416] : memref<8xf32, #tpu.memory_space<smem>>
      %get3A_418 = arith.constant 6 : index
      %get3A_419 = memref.load %arg8[%get3A_418] : memref<8xf32, #tpu.memory_space<smem>>
      %sub3A_420 = arith.subf %get3A_417, %get3A_419 : f32
      %mul3A_421 = arith.constant 8.000000e+01 : f32
      %mul3A_422 = arith.mulf %max3A_394, %mul3A_421 : f32
      %div3A_423 = arith.divf %sub3A_420, %mul3A_422 : f32
      %mul3A_424 = arith.constant 5.000000e+00 : f32
      %mul3A_425 = arith.mulf %mul3A_424, %div3A_415 : f32
      %add3A_426 = arith.addf %add3A_412, %mul3A_425 : f32
      %mul3A_427 = arith.constant 1.000000e+00 : f32
      %mul3A_428 = arith.mulf %mul3A_427, %div3A_423 : f32
      %add3A_429 = arith.addf %add3A_426, %mul3A_428 : f32
      %reshape3A = vector.broadcast %add3A_429 : f32 to vector<1x1xf32>
      %swap3A_430 = arith.constant 0 : index
      %swap3A_431 = arith.constant 0 : index
      %swap3A_432 = vector.load %arg4[%swap3A_430, %swap3A_431] : memref<1x1xf32, #tpu.memory_space<vmem>>, vector<1x1xf32>
      tpu.vector_store %arg4[%swap3A_430, %swap3A_431], %reshape3A {strides = array<i32>} : memref<1x1xf32, #tpu.memory_space<vmem>>, vector<1x1xf32>,
      %reshape3A_433 = vector.broadcast %add3A_412 : f32 to vector<1x1xf32>
      %swap3A_434 = arith.constant 0 : index
      %swap3A_435 = arith.constant 0 : index
      %swap3A_436 = vector.load %arg5[%swap3A_434, %swap3A_435] : memref<1x1xf32, #tpu.memory_space<vmem>>, vector<1x1xf32>
      tpu.vector_store %arg5[%swap3A_434, %swap3A_435], %reshape3A_433 {strides = array<i32>} : memref<1x1xf32, #tpu.memory_space<vmem>>, vector<1x1xf32>,
      %reshape3A_437 = vector.broadcast %div3A_415 : f32 to vector<1x1xf32>
      %swap3A_438 = arith.constant 0 : index
      %swap3A_439 = arith.constant 0 : index
      %swap3A_440 = vector.load %arg6[%swap3A_438, %swap3A_439] : memref<1x1xf32, #tpu.memory_space<vmem>>, vector<1x1xf32>
      tpu.vector_store %arg6[%swap3A_438, %swap3A_439], %reshape3A_437 {strides = array<i32>} : memref<1x1xf32, #tpu.memory_space<vmem>>, vector<1x1xf32>,
      %reshape3A_441 = vector.broadcast %div3A_423 : f32 to vector<1x1xf32>
      %swap3A_442 = arith.constant 0 : index
      %swap3A_443 = arith.constant 0 : index
      %swap3A_444 = vector.load %arg7[%swap3A_442, %swap3A_443] : memref<1x1xf32, #tpu.memory_space<vmem>>, vector<1x1xf32>
      tpu.vector_store %arg7[%swap3A_442, %swap3A_443], %reshape3A_441 {strides = array<i32>} : memref<1x1xf32, #tpu.memory_space<vmem>>, vector<1x1xf32>,
    } else {
    }
    return
  }
  func.func @transform_0(%arg0: i32) -> (i32, i32, i32) {
    %c0_i32 = arith.constant 0 : i32
    %c0_i32_0 = arith.constant 0 : i32
    %c0_i32_1 = arith.constant 0 : i32
    return %arg0, %c0_i32, %c0_i32_0 : i32, i32, i32
  }
  func.func @transform_1(%arg0: i32) -> (i32, i32) {
    %c0_i32 = arith.constant 0 : i32
    %c0_i32_0 = arith.constant 0 : i32
    return %arg0, %c0_i32 : i32, i32
  }
  func.func @transform_2(%arg0: i32) -> (i32, i32, i32) {
    %c0_i32 = arith.constant 0 : i32
    %c0_i32_0 = arith.constant 0 : i32
    %c0_i32_1 = arith.constant 0 : i32
    return %arg0, %c0_i32, %c0_i32_0 : i32, i32, i32
  }
  func.func @transform_3(%arg0: i32) -> (i32, i32) {
    %c0_i32 = arith.constant 0 : i32
    %c0_i32_0 = arith.constant 0 : i32
    %c0_i32_1 = arith.constant 0 : i32
    return %c0_i32, %c0_i32_0 : i32, i32
  }
  func.func @transform_4(%arg0: i32) -> (i32, i32) {
    %c0_i32 = arith.constant 0 : i32
    %c0_i32_0 = arith.constant 0 : i32
    %c0_i32_1 = arith.constant 0 : i32
    return %c0_i32, %c0_i32_0 : i32, i32
  }
  func.func @transform_5(%arg0: i32) -> (i32, i32) {
    %c0_i32 = arith.constant 0 : i32
    %c0_i32_0 = arith.constant 0 : i32
    %c0_i32_1 = arith.constant 0 : i32
    return %c0_i32, %c0_i32_0 : i32, i32
  }
  func.func @transform_6(%arg0: i32) -> (i32, i32) {
    %c0_i32 = arith.constant 0 : i32
    %c0_i32_0 = arith.constant 0 : i32
    %c0_i32_1 = arith.constant 0 : i32
    return %c0_i32, %c0_i32_0 : i32, i32
  }
}

</mosaic_0001>

<sc_bundles>
// kernel: kernel.4.cloned.1.call-start
scs
__scs_entry_jumppad:
0x0: {  	(pc) =	sbr.rel $0x88, $3  }
0x1: {  	(tag) =	ssettag $0x0;
	lr =	simm.s32 $0x1  }
0x2: {  	[smem:$0x3F9C] =	sst lr;
	_ =	strace $0xD0000000  }
0x3: {  	_ = 	snop  }
0x4: {  	_ = 	snop  }
0x5: {  	_ = 	snop  }
0x6: {  	_ = 	snop  }
0x7: {  	_ = 	snop  }
__scs_overlays_trampoline_lowered:
0x8: {  	[smem:$0x3FAB] =	sst s0  }
0x9: {  	[smem:$0x3FAC] =	sst s1  }
0xa: {  	[smem:$0x3FAD] =	sst s2  }
0xb: {  	[smem:$0x3FAE] =	sst s3  }
0xc: {  	[smem:$0x3FAF] =	sst s4  }
0xd: {  	[smem:$0x3FB0] =	sst s5  }
0xe: {  	[smem:$0x3FB1] =	sst s6  }
0xf: {  	[smem:$0x3FB2] =	sst s7  }
0x10: {  	[smem:$0x3FB3] =	sst s8  }
0x11: {  	[smem:$0x3FB4] =	sst s9;
	s0 =	simm.s32 @!p0 $0x0  }
0x12: {  	s1 =	sld [smem:$0x3F9A];
	s0 =	simm.s32 @p0 $0x1  }
0x13: {  	[smem:$0x3FB5] =	sst s0;
	s0 =	simm.s32 @!p1 $0x0  }
0x14: {  	s2 =	sld [smem:$0x3F99];
	s0 =	simm.s32 @p1 $0x1  }
0x15: {  	[smem:$0x3FB6] =	sst s0;
	s0 =	simm.s32 @!p2 $0x0  }
0x16: {  	s3 =	sld [smem:$0x3FDB];
	s0 =	simm.s32 @p2 $0x1  }
0x17: {  	s4 =	simm.s32 $0x1BF5;
	[smem:$0x3FB8] =	sst s0  }
0x18: {  	s0 =	sld [smem:$0x3F9B];
	_ =	swait.ge [sflag:s4], $0x0  }
0x19: {  	s7 =	sld [smem:$0x3F9C]  }
0x1a: {  	s8 =	sadd.s32 $0xFFFFE003, lr  }
0x1b: {  	s9 =	sadd.s32 $0xFFFFFEF7, lr;
	s5 =	simm.s32 $0xFFFFFFFF;
	p2 =	slt.u32 s8, $0xFFFFF086  }
0x1c: {  	p1 =	slt.u32 s9, $0xF7A;
	s5 =	simm.s32 @!p2 $0x0  }
0x1d: {  	s5 =	simm.s32 @p1 $0x1;
	p0 =	seq.s32 s7, s2  }
0x1e: {  	s7 =	smul.u32 @!p0 $0xF7A, s2;
	p2 =	seq.s32 @!p0 s5, $0x0  }
0x1f: {  	s9 =	smul.u32 $0xF7A, s1;
	s8 =	simm.s32 @!p0 $0x1BF5;
	p2 =	por !p2, p0  }
0x20: {  	[sflag:s8] =	ssyncset.s32 @!p0 $0xFFFFF086;
	s6 =	sadd.s32 @!p0 s3, s7;
	s7 =	simm.s32 @!p0 $0x108  }
0x21: {  	s3 =	sadd.s32 s3, s9;
	s6 =	sadd.s32 @!p0 $0x88, s6;
	s7 =	simm.s32 @p2 $0x1082  }
0x22: {  	[simem:s7], [sflag:s8] =	dma.local @!p0 [hbm:s6], $0xF7A  }
0x23: {  	s9 =	sor.u32 $0xD0000000, s2;
	s6 =	simm.s32 $0x108;
	_ =	swait.ge @!p0 [sflag:s8], $0x0  }
0x24: {  	s3 =	sadd.s32 $0x88, s3;
	s6 =	simm.s32 @!p1 $0x1082;
	[sflag:s4] =	ssyncset.s32 $0xFFFFF086  }
0x25: {  	[simem:s6], [sflag:s4] =	dma.local [hbm:s3], $0xF7A  }
0x26: {  	[smem:$0x3F9C] =	sst s1;
	(tag) =	ssettag s2;
	_ =	strace s9  }
0x27: {  	s1 =	sld [smem:$0x3FAC]  }
0x28: {  	s2 =	sld [smem:$0x3FAD]  }
0x29: {  	s4 =	sld [smem:$0x3FAF]  }
0x2a: {  	p0 =	seq.s32 s5, $0x0;
	s5 =	sld [smem:$0x3FB0]  }
0x2b: {  	s6 =	sld [smem:$0x3FB1]  }
0x2c: {  	s7 =	sld [smem:$0x3FB2]  }
0x2d: {  	s3 =	simm.s32 $0x108;
	s8 =	sld [smem:$0x3FB3]  }
0x2e: {  	s3 =	simm.s32 @!p0 $0x1082;
	s9 =	sld [smem:$0x3FB4]  }
0x2f: {  	lr =	sadd.s32 s0, s3;
	s0 =	sld [smem:$0x3FAB]  }
0x30: {  	s3 =	sld [smem:$0x3FAE]  }
0x31: {  	[smem:$0x3FB7] =	sst s10  }
0x32: {  	s10 =	sld [smem:$0x3FB5];
	_ =	sdelay $0x3  }
0x33: {  	p0 =	seq.s32 s10, $0x1;
	s10 =	sld [smem:$0x3FB7];
	_ =	sdelay $0x3  }
0x34: {  	[smem:$0x3FB7] =	sst s10  }
0x35: {  	s10 =	sld [smem:$0x3FB6];
	_ =	sdelay $0x3  }
0x36: {  	p1 =	seq.s32 s10, $0x1;
	s10 =	sld [smem:$0x3FB7];
	_ =	sdelay $0x3  }
0x37: {  	[smem:$0x3FB7] =	sst s10  }
0x38: {  	s10 =	sld [smem:$0x3FB8]  }
0x39: {  	_ = 	snop;
	(pc) =	sbr.ind lr, $3  }
0x3a: {  	_ = 	snop  }
0x3b: {  	_ = 	snop  }
0x3c: {  	p2 =	seq.s32 s10, $0x1;
	s10 =	sld [smem:$0x3FB7]  }
0x3d: {  	_ =	shalt  }
0x3e: {  	_ =	shalt  }
0x3f: {  	_ =	shalt  }
0x40: {  	_ =	shalt  }
0x41: {  	_ =	shalt  }
0x42: {  	_ =	shalt  }
0x43: {  	_ =	shalt  }
0x44: {  	_ =	shalt  }
0x45: {  	_ =	shalt  }
0x46: {  	_ =	shalt  }
0x47: {  	_ =	shalt  }
0x48: {  	_ =	shalt  }
0x49: {  	_ =	shalt  }
0x4a: {  	_ =	shalt  }
0x4b: {  	_ =	shalt  }
0x4c: {  	_ =	shalt  }
0x4d: {  	_ =	shalt  }
0x4e: {  	_ =	shalt  }
0x4f: {  	_ =	shalt  }
0x50: {  	_ =	shalt  }
0x51: {  	_ =	shalt  }
0x52: {  	_ =	shalt  }
0x53: {  	_ =	shalt  }
0x54: {  	_ =	shalt  }
0x55: {  	_ =	shalt  }
0x56: {  	_ =	shalt  }
0x57: {  	_ =	shalt  }
0x58: {  	_ =	shalt  }
0x59: {  	_ =	shalt  }
0x5a: {  	_ =	shalt  }
0x5b: {  	_ =	shalt  }
0x5c: {  	_ =	shalt  }
0x5d: {  	_ =	shalt  }
0x5e: {  	_ =	shalt  }
0x5f: {  	_ =	shalt  }
0x60: {  	_ =	shalt  }
0x61: {  	_ =	shalt  }
0x62: {  	_ =	shalt  }
0x63: {  	_ =	shalt  }
0x64: {  	_ =	shalt  }
0x65: {  	_ =	shalt  }
0x66: {  	_ =	shalt  }
0x67: {  	_ =	shalt  }
0x68: {  	_ =	shalt  }
0x69: {  	_ =	shalt  }
0x6a: {  	_ =	shalt  }
0x6b: {  	_ =	shalt  }
0x6c: {  	_ =	shalt  }
0x6d: {  	_ =	shalt  }
0x6e: {  	_ =	shalt  }
0x6f: {  	_ =	shalt  }
0x70: {  	_ =	shalt  }
0x71: {  	_ =	shalt  }
0x72: {  	_ =	shalt  }
0x73: {  	_ =	shalt  }
0x74: {  	_ =	shalt  }
0x75: {  	_ =	shalt  }
0x76: {  	_ =	shalt  }
0x77: {  	_ =	shalt  }
0x78: {  	_ =	shalt  }
0x79: {  	_ =	shalt  }
0x7a: {  	_ =	shalt  }
0x7b: {  	_ =	shalt  }
0x7c: {  	_ =	shalt  }
0x7d: {  	_ =	shalt  }
0x7e: {  	_ =	shalt  }
0x7f: {  	_ =	shalt  }
0x80: {  	_ =	shalt  }
0x81: {  	_ =	shalt  }
0x82: {  	_ =	shalt  }
0x83: {  	_ =	shalt  }
0x84: {  	_ =	shalt  }
0x85: {  	_ =	shalt  }
0x86: {  	_ =	shalt  }
0x87: {  	_ =	shalt  }
.Lfunc_end0:
.L_simem_size_0:
called_computation_lowered:
.L_overlay_start_0:
0x88: {  	s2 =	sld [smem:$0x3FD9]  }
0x89: {  	s3 =	sld [smem:$0x3FFE];
	_ =	sdelay $0x1  }
0x8a: {  	s1 =	srdreg.scid  }
0x8b: {  	s0 =	sand.u32 $0x1, s1  }
0x8c: {  	s16 =	sshll.u32 s0, $0xA;
	s2 =	sadd.s32 s3, s2  }
0x8d: {  	s2 =	sadd.s32 s2, s16  }
0x8e: {  	[smem:$0x3FC3] =	sst s2  }
0x8f: {  	_ = 	snop  }
0x90: {  	(tm) =	ssettm $0x1  }
0x91: {  	s17 =	sld [smem:$0x3FFB];
	_ =	sdelay $0x3  }
0x92: {  	_ =	strace s17  }
0x93: {  	s2 =	sld [smem:$0x3FFC];
	_ =	sdelay $0x3  }
0x94: {  	_ =	strace s2  }
0x95: {  	s2 =	sld [smem:$0x3FFD];
	_ =	sdelay $0x3  }
0x96: {  	_ =	strace s2  }
0x97: {  	_ =	strace $0x8FFFFFFF  }
0x98: {  	s18 =	sld [smem:$0x3FDB];
	_ =	sdelay $0x1  }
0x99: {  	s19 =	simm.s32 $_scs_section_size  }
0x9a: {  	s4 =	simm.s32 $_size__tile_overlayer_lowered;
	s5 =	simm.s32 $_tile_overlayer_lowered  }
0x9b: {  	s22 =	simm.s32 $0x1BFF;
	s21 =	sshll.u32 s5, $0x1;
	s2 =	sadd.s32 s19, s18  }
0x9c: {  	s6 =	simm.s32 $0x0;
	s20 =	sshll.u32 s4, $0x1;
	s4 =	sadd.s32 s21, s2  }
0x9d: {  	[timem:s6], [sflag:s22] =	dma.local [hbm:s4], s20  }
0x9e: {  	_ =	swait.ge [sflag:s22], s20  }
0x9f: {  	s3 =	ssub.s32 $0x0, s20;
	[sflag:s22] =	ssyncset.done $0x0  }
0xa0: {  	[sflag:s22] =	ssyncadd.s32 s3;
	_ =	sdelay $0x1  }
0xa1: {  	s23 =	simm.s32 $0x1B8B  }
0xa2: {  	_ =	swait.ge [sflag:s23], $0x1  }
0xa3: {  	[sflag:s23] =	ssyncset.done $0x0  }
0xa4: {  	s25 =	simm.s32 $0x1B8E;
	s24 =	sld [smem:$0x3FFE];
	[sflag:s23] =	ssyncadd.s32 $0xFFFFFFFF  }
0xa5: {  	s26 =	simm.s32 $execute0_lowered;
	[smem:$0x3FD2] =	sst s25  }
0xa6: {  	s4 =	sshll.u32 s26, $0x1;
	_ =	strace $0x80000046;
	[dreg:$0x1] =	wrdreg $0xFFFFFFFF  }
0xa7: {  	s28 =	simm.s32 $_size_execute0_lowered;
	s2 =	sadd.s32 s2, s4;
	[dreg:$0x0] =	wrdreg $0x0  }
0xa8: {  	s4 =	sshll.u32 s28, $0x1;
	[dreg:$0x2] =	wrdreg s2  }
0xa9: {  	[dreg:$0x3] =	wrdreg s4  }
0xaa: {  	[dreg:$0x4] =	wrdreg $0xC0  }
0xab: {  	_ =	task [dreg:s6], $0x5FFFF  }
0xac: {  	[dreg:$0x1] =	wrdreg $0xFFFFFFFF  }
0xad: {  	[dreg:$0x0] =	wrdreg $0x60  }
0xae: {  	[dreg:$0x2] =	wrdreg s24  }
0xaf: {  	[dreg:$0x3] =	wrdreg $0x9  }
0xb0: {  	_ =	task.clear_ibuf [dreg:s6], $0x4FFFF;
	_ =	strace $0x90000046  }
0xb1: {  	s29 =	simm.s32 $0x9;
	_ =	strace $0x80000048  }
0xb2: {  	_ =	swait.ge [sflag:s29], $0x1  }
0xb3: {  	[sflag:s29] =	ssyncadd.s32 $0xFFFFFFFF  }
0xb4: {  	_ =	strace $0x90000048  }
0xb5: {  	_ =	sfence  }
0xb6: {  	s30 =	sld [smem:$0x0];
	_ =	sdelay $0x2  }
0xb7: {  	s31 =	sshll.u32 s1, $0xD;
	s1 =	sshrl.u32 s1, $0x2  }
0xb8: {  	s3 =	sand.u32 $0x4000, s31;
	s1 =	sadd.s32 s1, s30  }
0xb9: {  	s0 =	sor.u32 s3, s0;
	s1 =	sshll.u32 s1, $0x11  }
0xba: {  	s0 =	sor.u32 s1, s0  }
0xbb: {  	s0 =	sadd.s32 $0x8F2B, s0  }
0xbc: {  	[sflag:s0] =	ssyncadd.remote.s32 $0x1  }
0xbd: {  	_ =	sfence.sel $0xFFFF  }
0xbe: {  	[dreg:$0x0] =	wrdreg $0xFFFFFFFF;
	(pc) =	sbr.abs _section_cstart, $3  }
0xbf: {  	[dreg:$0x1] =	wrdreg $0xFFFFFFFF  }
0xc0: {  	_ =	task.clear_ibuf [dreg:s6], $0x2FFFF;
	_ =	strace $0x9FFFFFFF  }
0xc1: {  	(tm) =	ssettm $0x7FFFFFFF  }
tec
execute0_lowered:
.L_overlay_start_1:
0x0: {  	(tag) =	ssettag $0x1  }
0x1: {  	v0 =	vimm.s32 $0xFEDCBA9;
	v1 =	vimm.s32 $0x87654321  }
0x2: {  	v2 =	vimm.s32 $0x10FEDCBA;
	v5 =	vimm.s32 $0x98765432;
	v6 =	vimm.s32 $0x3210FEDC  }
0x3: {  	v7 =	vimm.s32 $0xBA987654;
	vm0 =	vmmov $0x7fff;
	v9 =	vimm.s32 $0x0  }
0x4: {  	v20 =	vimm.s32 $0xEDCBA987;
	v21 =	vimm.s32 $0x0;
	vm4 =	vmmov $0x7ff  }
0x5: {  	vm5 =	vmmov $0x3ff;
	vm6 =	vmmov $0x1ff;
	vm7 =	vmmov $0xff  }
0x6: {  	s1 =	srdreg.scid;
	vm8 =	vmmov $0x7f;
	vm9 =	vmmov $0x3f;
	vm10 =	vmmov $0x1f  }
0x7: {  	s0 =	stileid.u32;
	s8 =	rddreg [dreg:$0x0];
	vm11 =	vmmov $0xf;
	vm12 =	vmmov $0x7;
	vm13 =	vmmov $0x3  }
0x8: {  	s28 =	simm.s32 $0xC0;
	vm14 =	vmmov $0x1;
	s1 =	sand.u32 $0x1, s1;
	s2 =	sshll.u32 s0, $0x1;
	v0 =	vunpack.c.l.s4.s8 v0;
	v1 =	vunpack.c.l.s4.s8 v1  }
0x9: {  	s29 =	simm.s32 $0xD0;
	s30 =	simm.s32 $0xE0;
	v4 =	vunpack.c.l.s4.s8 v2;
	v2 =	vimm.f32 $0.0e+00;
	v5 =	vunpack.c.l.s4.s8 v5;
	s4 =	sor.u32 s1, s2  }
0xa: {  	s31 =	simm.s32 $0xF0;
	v6 =	vunpack.c.l.s4.s8 v6;
	v7 =	vunpack.c.l.s4.s8 v7;
	v9 =	vsel vm0, $0xFFFFFFFF, v9;
	p1 =	seq.s32 s1, $0x1;
	p0 =	seq.s32 s4, $0x0  }
0xb: {  	s9 =	sadd.s32 $0xA00, s8;
	s6 =	sadd.s32 $0xC00, s8;
	vm0 =	vmmov $0x3fff;
	v20 =	vunpack.c.l.s4.s8 v20;
	v10 =	vunpack.c.0.s8.s32 v0;
	p0 =	por !p0, !p1  }
0xc: {  	s2 =	simm.s32 $0x1;
	s1 =	ssub.s32 $0x2, s1;
	v11 =	vunpack.c.0.s8.s32 v1;
	v1 =	vimm.s32 $0x1;
	v12 =	vunpack.c.0.s8.s32 v4;
	p0 =	por !p0, !p0  }
0xd: {  	s14 =	sadd.s32 $0xE00, s8;
	v4 =	vimm.s32 $0x210FEDCB;
	v13 =	vunpack.c.0.s8.s32 v5;
	v5 =	vimm.s32 $0xA9876543;
	s10 =	sshrl.u32 s1, $0x1;
	s2 =	simm.s32 @!p0 $0x0  }
0xe: {  	v16 =	vunpack.c.0.s8.s32 v6;
	v17 =	vunpack.c.0.s8.s32 v7;
	v6 =	vimm.s32 $0x43210FED;
	s1 =	ssub.s32 s1, s10;
	s3 =	ssub.s32 s0, s2;
	s2 =	simm.s32 $0x0  }
0xf: {  	v20 =	vunpack.c.0.s8.s32 v20;
	v4 =	vunpack.c.l.s4.s8 v4;
	v3 =	vcombine.low v11, v10;
	s5 =	sshll.u32 s3, $0xA;
	s7 =	sshll.u32 s3, $0x1;
	[smem:$0x7FF] =	sst s2  }
0x10: {  	v5 =	vunpack.c.l.s4.s8 v5;
	v8 =	vcombine.low v13, v12;
	v7 =	vcombine.low v17, v16;
	s13 =	sshll.u32 s3, $0x5;
	s3 =	simm.s32 $0x1;
	p6 =	seq.s32 s4, s7  }
0x11: {  	v11 =	vcombine.low v10, v11;
	v12 =	vcombine.low v12, v13;
	v14 =	vunpack.c.0.s8.s32 v4;
	_ =	strace $0x80000047;
	s16 =	ssub.s32 s4, s7;
	s15 =	sshrl.u32 s13, $0x3  }
0x12: {  	v15 =	vunpack.c.0.s8.s32 v5;
	v5 =	vimm.s32 $0x0;
	v3 =	vand.u32 $0xF, v3;
	s12 =	sadd.s32 $0x200, s13;
	s8 =	sadd.s32 $0x210, s13;
	s4 =	sshll.u32 s4, $0x1  }
0x13: {  	v4 =	vand.u32 $0xF, v8;
	v5 =	vsel vm0, $0xFFFFFFFF, v5;
	v8 =	vunpack.c.l.s4.s8 v6;
	s17 =	sadd.s32 s9, s15;
	s11 =	sor.u32 $0x2, s15;
	s12 =	sshrl.u32 s12, $0x3  }
0x14: {  	v6 =	vimm.s32 $0xCBA98765;
	vm0 =	vmmov $0x1fff;
	v11 =	vand.u32 $0xF, v11;
	s8 =	sshrl.u32 s8, $0x3;
	s4 =	sadd.s32 s4, s9;
	s20 =	sshll.u32 s16, $0x4  }
0x15: {  	v12 =	vand.u32 $0xF, v12;
	v13 =	vcombine.low v14, v15;
	v0 =	vmov s5;
	[tilespmem:$0x1FFC0] =	vst v9;
	p0 =	seq.s32 s16, $0x1;
	[dreg:$0x2] =	wrdreg s17;
	s18 =	sadd.s32 s9, s11  }
0x16: {  	[tilespmem:$0x1FFD0] =	vst v5;
	v5 =	vcombine.low v15, v14;
	v9 =	vimm.s32 $0x0;
	v18 =	vunpack.c.0.s8.s32 v8;
	s19 =	sadd.s32 s9, s12;
	s8 =	sadd.s32 s9, s8;
	[dreg:$0x3] =	wrdreg s18  }
0x17: {  	v8 =	vimm.s32 $0xDCBA9876;
	v14 =	vcombine.low v16, v17;
	v1 =	vpsel !p6, $0x0, v1;
	s21 =	sadd.s32 $0x80, s4;
	s22 =	sadd.s32 s5, s20;
	[dreg:$0x4] =	wrdreg s19  }
0x18: {  	v9 =	vsel vm0, $0xFFFFFFFF, v9;
	v8 =	vunpack.c.l.s4.s8 v8;
	vm0 =	vmmov $0xfff;
	s4 =	sadd.s32 $0xC0, s4;
	s5 =	sadd.s32 s6, s15;
	[dreg:$0x5] =	wrdreg s8  }
0x19: {  	v13 =	vand.u32 $0xF, v13;
	v5 =	vand.u32 $0xF, v5;
	[tilespmem:$0x1FFE0] =	vst v9;
	v9 =	vunpack.c.l.s4.s8 v6;
	s6 =	sadd.s32 s6, s11;
	s20 =	simm.s32 $0x50;
	[dreg:$0x6] =	wrdreg s21  }
0x1a: {  	v6 =	vand.u32 $0xF, v7;
	v7 =	vimm.s32 $0x543210FE;
	v21 =	vsel vm0, $0xFFFFFFFF, v21;
	s23 =	sadd.s32 $0x80, s22;
	s24 =	sshrl.u32 s22, $0x3;
	s9 =	sadd.s32 $0x100, s22  }
0x1b: {  	v7 =	vunpack.c.l.s4.s8 v7;
	s25 =	sadd.s32 $0x180, s22;
	s26 =	sadd.s32 $0x200, s22;
	s13 =	sadd.s32 $0x280, s22;
	v19 =	vunpack.c.0.s8.s32 v9;
	v9 =	vimm.s32 $0x6543210F  }
0x1c: {  	v14 =	vand.u32 $0xF, v14;
	v23 =	vunpack.c.0.s8.s32 v8;
	s15 =	sadd.s32 $0x300, s22;
	s12 =	sadd.s32 $0x380, s22;
	s18 =	simm.s32 $0x30;
	v9 =	vunpack.c.l.s4.s8 v9  }
0x1d: {  	s19 =	simm.s32 $0x40;
	s21 =	simm.s32 $0x60;
	s22 =	simm.s32 $0x70;
	v22 =	vunpack.c.0.s8.s32 v7;
	v7 =	vimm.s32 $0xFEDCBA98;
	v61 =	vcombine.low v19, v18  }
0x1e: {  	s8 =	sshrl.u32 s23, $0x3;
	s7 =	sadd.s32 s14, s24;
	s9 =	sshrl.u32 s9, $0x3;
	v25 =	vunpack.c.l.s4.s8 v7;
	v15 =	vcombine.low v18, v19;
	v18 =	vimm.s32 $0x0  }
0x1f: {  	s10 =	sshrl.u32 s25, $0x3;
	s11 =	sshrl.u32 s26, $0x3;
	s13 =	sshrl.u32 s13, $0x3;
	v19 =	vlaneseq.u32;
	v24 =	vunpack.c.0.s8.s32 v9;
	v9 =	vimm.s32 $0x76543210  }
0x20: {  	s15 =	sshrl.u32 s15, $0x3;
	s17 =	sshrl.u32 s12, $0x3;
	s23 =	simm.s32 $0x80;
	v8 =	vcombine.low v23, v22;
	v16 =	vcombine.low v22, v23;
	v26 =	vunpack.c.l.s4.s8 v9  }
0x21: {  	s24 =	simm.s32 $0x90;
	s25 =	simm.s32 $0xA0;
	s26 =	simm.s32 $0xB0;
	v7 =	vand.u32 $0xF, v61;
	v25 =	vunpack.c.0.s8.s32 v25;
	v15 =	vand.u32 $0xF, v15  }
0x22: {  	s8 =	sadd.s32 s14, s8;
	s9 =	sadd.s32 s14, s9;
	s10 =	sadd.s32 s14, s10;
	v62 =	vcombine.low v20, v24;
	v17 =	vcombine.low v24, v20;
	v63 =	vunpack.c.0.s8.s32 v26  }
0x23: {  	s11 =	sadd.s32 s14, s11;
	s12 =	sadd.s32 s14, s13;
	s13 =	sadd.s32 s14, s15;
	v8 =	vand.u32 $0xF, v8;
	v16 =	vand.u32 $0xF, v16;
	v25 =	vand.u32 $0xF, v25  }
0x24: {  	[tilespmem:$0x1FFF0] =	vst v21;
	s14 =	sadd.s32 s14, s17;
	s15 =	smax.u32 s1, $0x1;
	s1 =	simm.s32 $0x2;
	v9 =	vand.u32 $0xF, v62;
	v17 =	vand.u32 $0xF, v17;
	v10 =	vcombine.low v25, v63  }
.LBB2_1:
0x25: {  	s0 =	rddreg [dreg:$0x2]  }
0x26: {  	[tilespmem:s2], [sflag:$0x1] =	stream.linear.gather [hbm4b:s0+s2], $0x10, $0x38;
	[tilespmem:$0x100] =	vst v63  }
0x27: {  	s16 =	rddreg [dreg:$0x3];
	s17 =	simm.s32 $0x10  }
0x28: {  	[tilespmem:s17], [sflag:$0x1] =	stream.linear.gather [hbm4b:s16+s2], $0x10, $0x38;
	[tilespmem:$0x100] =	vst v63  }
0x29: {  	s0 =	rddreg [dreg:$0x4];
	s17 =	simm.s32 $0x20  }
0x2a: {  	[tilespmem:s17], [sflag:$0x1] =	stream.linear.gather [hbm4b:s0+s2], $0x10, $0x38;
	[tilespmem:$0x100] =	vst v63  }
0x2b: {  	s16 =	rddreg [dreg:$0x5]  }
0x2c: {  	[tilespmem:s18], [sflag:$0x1] =	stream.linear.gather [hbm4b:s16+s2], $0x10, $0x38;
	[tilespmem:$0x100] =	vst v63  }
0x2d: {  	s17 =	rddreg [dreg:$0x6]  }
0x2e: {  	[tilespmem:s19], [sflag:$0x1] =	stream.linear.gather [hbm4b:s17+s2], $0x10, $0x38;
	[tilespmem:$0x100] =	vst v63  }
0x2f: {  	_ = 	snop  }
0x30: {  	[tilespmem:s20], [sflag:$0x1] =	stream.linear.gather [hbm4b:s4+s2], $0x10, $0x38;
	[tilespmem:$0x100] =	vst v63  }
0x31: {  	_ = 	snop  }
0x32: {  	[tilespmem:s21], [sflag:$0x1] =	stream.linear.gather [hbm4b:s5+s2], $0x10, $0x38;
	[tilespmem:$0x100] =	vst v63  }
0x33: {  	_ = 	snop  }
0x34: {  	[tilespmem:s22], [sflag:$0x1] =	stream.linear.gather [hbm4b:s6+s2], $0x10, $0x38;
	[tilespmem:$0x100] =	vst v63  }
0x35: {  	_ =	swait.ge [sflag:s3], $0x10  }
0x36: {  	[sflag:s3] =	ssyncset.done $0x0  }
0x37: {  	[sflag:s3] =	ssyncadd.s32 $0xFFFFFFF0  }
0x38: {  	_ =	swait.ge [sflag:s3], $0x10  }
0x39: {  	[sflag:s3] =	ssyncset.done $0x0  }
0x3a: {  	[sflag:s3] =	ssyncadd.s32 $0xFFFFFFF0  }
0x3b: {  	_ =	swait.ge [sflag:s3], $0x10  }
0x3c: {  	[sflag:s3] =	ssyncset.done $0x0  }
0x3d: {  	[sflag:s3] =	ssyncadd.s32 $0xFFFFFFF0  }
0x3e: {  	_ =	swait.ge [sflag:s3], $0x10  }
0x3f: {  	[sflag:s3] =	ssyncset.done $0x0  }
0x40: {  	[sflag:s3] =	ssyncadd.s32 $0xFFFFFFF0  }
0x41: {  	_ =	swait.ge [sflag:s3], $0x10  }
0x42: {  	[sflag:s3] =	ssyncset.done $0x0  }
0x43: {  	[sflag:s3] =	ssyncadd.s32 $0xFFFFFFF0  }
0x44: {  	_ =	swait.ge [sflag:s3], $0x10  }
0x45: {  	[sflag:s3] =	ssyncset.done $0x0  }
0x46: {  	[sflag:s3] =	ssyncadd.s32 $0xFFFFFFF0  }
0x47: {  	_ =	swait.ge [sflag:s3], $0x10  }
0x48: {  	[sflag:s3] =	ssyncset.done $0x0  }
0x49: {  	[sflag:s3] =	ssyncadd.s32 $0xFFFFFFF0  }
0x4a: {  	_ =	swait.ge [sflag:s3], $0x10  }
0x4b: {  	[sflag:s3] =	ssyncset.done $0x0  }
0x4c: {  	[sflag:s3] =	ssyncadd.s32 $0xFFFFFFF0  }
0x4d: {  	v21 =	vld [tilespmem:$0x0]  }
0x4e: {  	v20 =	vld [tilespmem:$0x20]  }
0x4f: {  	v23 =	vld [tilespmem:$0x10]  }
0x50: {  	v22 =	vld [tilespmem:$0x30];
	_ =	sdelay $0x2  }
0x51: {  	v24 =	vmul.f32 $3.200000000e+01, v21  }
0x52: {  	v25 =	vmul.f32 $3.200000000e+01, v20;
	v26 =	vmul.f32 $3.200000000e+01, v23  }
0x53: {  	v27 =	vmul.f32 $3.200000000e+01, v22  }
0x54: {  	v24 =	vmax.f32 v24, $0.0e+00;
	v25 =	vmax.f32 v25, $0.0e+00;
	v42 =	vmax.f32 v26, $0.0e+00  }
0x55: {  	v43 =	vmax.f32 v27, $0.0e+00;
	v24 =	vmin.f32 v24, $3.100000000e+01;
	v41 =	vmin.f32 v25, $3.100000000e+01  }
0x56: {  	v25 =	vmin.f32 v42, $3.100000000e+01;
	v26 =	vmin.f32 v43, $3.100000000e+01;
	v24 =	vtrunc.f32 v24  }
0x57: {  	v29 =	vtrunc.f32 v25;
	v26 =	vtrunc.f32 v26  }
0x58: {  	v28 =	vcvt.f32.s32 v24;
	v24 =	vtrunc.f32 v41  }
0x59: {  	v25 =	vld [tilespmem:$0x70];
	v29 =	vcvt.f32.s32 v29;
	v26 =	vcvt.f32.s32 v26  }
0x5a: {  	v44 =	vcvt.f32.s32 v24;
	v24 =	vld [tilespmem:$0x60]  }
0x5b: {  	v26 =	vshll.u32 v26, $0x5;
	v29 =	vadd.s32 v29, v0  }
0x5c: {  	v28 =	vadd.s32 v28, v0;
	v27 =	vshll.u32 v44, $0x5;
	v26 =	vadd.s32 v26, v29  }
0x5d: {  	v30 =	vadd.s32 v27, v28;
	v45 =	vshll.u32 v26, $0x7  }
0x5e: {  	v27 =	vshll.u32 v30, $0x7;
	v28 =	vor.u32 v25, v45  }
0x5f: {  	v50 =	vld [tilespmem:$0x1FFC0];
	v27 =	vor.u32 v24, v27;
	v29 =	vperm.xlane v28, v19  }
0x60: {  	v54 =	vld [tilespmem:$0x1FFE0];
	v32 =	vperm.xlane v28, v4;
	v24 =	vpsel p0, v25, v24;
	v27 =	vpsel p0, v28, v27  }
0x61: {  	v24 =	vcvt.s32.f32 v24;
	v46 =	vperm.xlane v27, v3  }
0x62: {  	v31 =	vperm.xlane v27, v4;
	v49 =	vperm.xlane v27, v5  }
0x63: {  	v53 =	vperm.xlane v27, v6;
	v56 =	vperm.xlane v27, v7  }
0x64: {  	vm2 =	vnez.u8 v50;
	v59 =	vperm.xlane v27, v8;
	v61 =	vperm.xlane v27, v9  }
0x65: {  	vm3 =	vnez.u8 v54;
	v63 =	vperm.xlane v27, v10;
	v34 =	vperm.xlane v27, v11  }
0x66: {  	v21 =	vpsel p0, v23, v21;
	v36 =	vperm.xlane v27, v12;
	v38 =	vperm.xlane v27, v13  }
0x67: {  	v20 =	vpsel p0, v22, v20;
	v40 =	vperm.xlane v27, v14;
	v42 =	vperm.xlane v27, v15  }
0x68: {  	v26 =	vpsel p0, v26, v30;
	v44 =	vperm.xlane v27, v16;
	v45 =	vperm.xlane v27, v17  }
0x69: {  	v51 =	vld [tilespmem:$0x1FFD0];
	v47 =	vshra.s32 v46, $0x7;
	v48 =	vshra.s32 v31, $0x7;
	vm15 =	veq.s32 v46, v27  }
0x6a: {  	v52 =	vshra.s32 v49, $0x7;
	v55 =	vshra.s32 v53, $0x7;
	v58 =	vshra.s32 v56, $0x7  }
0x6b: {  	v60 =	vshra.s32 v59, $0x7;
	v62 =	vshra.s32 v61, $0x7;
	v33 =	vshra.s32 v63, $0x7  }
0x6c: {  	v35 =	vshra.s32 v34, $0x7;
	v37 =	vshra.s32 v36, $0x7;
	v39 =	vshra.s32 v38, $0x7  }
0x6d: {  	v41 =	vshra.s32 v40, $0x7;
	vm0 =	veq.s32 v47, v26;
	vm1 =	veq.s32 v48, v26  }
0x6e: {  	vm15 =	vmand vm15, vm2;
	vm0 =	vmand vm0, vm2;
	vm2 =	vnez.u8 v51  }
0x6f: {  	v57 =	vld [tilespmem:$0x1FFF0];
	v43 =	vshra.s32 v42, $0x7;
	v46 =	vshra.s32 v44, $0x7;
	vm1 =	vmand vm1, vm2  }
0x70: {  	v47 =	vshra.s32 v45, $0x7;
	vm0 =	vmor vm0, vm1;
	vm1 =	veq.s32 v31, v27  }
0x71: {  	v48 =	vshra.s32 v29, $0x7;
	vm1 =	vmand vm1, vm2;
	vm2 =	veq.s32 v52, v26  }
0x72: {  	vm1 =	vmor vm15, vm1;
	vm2 =	vmand vm2, vm3;
	vm15 =	veq.s32 v49, v27  }
0x73: {  	v31 =	vperm.xlane v28, v3;
	vm15 =	vmand vm15, vm3;
	vm0 =	vmor vm2, vm0  }
0x74: {  	vm2 =	veq.s32 v55, v26;
	vm3 =	vnez.u8 v57;
	v55 =	vperm.xlane v28, v12  }
0x75: {  	v57 =	vperm.xlane v28, v13;
	vm1 =	vmor vm15, vm1;
	vm15 =	veq.s32 v53, v27  }
0x76: {  	vm2 =	vmand vm2, vm3;
	vm15 =	vmand vm15, vm3;
	vm3 =	veq.s32 v58, v26  }
0x77: {  	v53 =	vperm.xlane v28, v11;
	vm0 =	vmor vm2, vm0;
	vm2 =	vmand vm3, vm4  }
0x78: {  	v58 =	vshra.s32 v57, $0x7;
	vm0 =	vmor vm2, vm0;
	vm2 =	veq.s32 v56, v27  }
0x79: {  	vm1 =	vmor vm15, vm1;
	vm3 =	veq.s32 v60, v26;
	vm2 =	vmand vm2, vm4  }
0x7a: {  	vm15 =	veq.s32 v33, v26;
	v54 =	vshra.s32 v53, $0x7;
	vm1 =	vmor vm2, vm1  }
0x7b: {  	vm2 =	vmand vm3, vm5;
	vm3 =	veq.s32 v59, v27;
	v59 =	vperm.xlane v28, v14  }
0x7c: {  	vm3 =	vmand vm3, vm5;
	vm0 =	vmor vm2, vm0;
	vm2 =	veq.s32 v62, v26  }
0x7d: {  	v56 =	vshra.s32 v55, $0x7;
	vm1 =	vmor vm3, vm1;
	vm2 =	vmand vm2, vm6  }
0x7e: {  	vm3 =	veq.s32 v61, v27;
	v60 =	vshra.s32 v59, $0x7;
	v61 =	vperm.xlane v28, v15  }
0x7f: {  	vm3 =	vmand vm3, vm6;
	vm0 =	vmor vm2, vm0;
	vm2 =	vmand vm15, vm7  }
0x80: {  	vm15 =	veq.s32 v39, v26;
	vm0 =	vmor vm2, vm0;
	vm2 =	veq.s32 v63, v27  }
0x81: {  	vm1 =	vmor vm3, vm1;
	vm3 =	veq.s32 v35, v26;
	vm2 =	vmand vm2, vm7  }
0x82: {  	v35 =	vperm.xlane v28, v5;
	v62 =	vshra.s32 v61, $0x7;
	vm1 =	vmor vm2, vm1  }
0x83: {  	vm2 =	vmand vm3, vm8;
	vm3 =	veq.s32 v34, v27;
	v34 =	vshra.s32 v32, $0x7  }
0x84: {  	vm3 =	vmand vm3, vm8;
	vm0 =	vmor vm2, vm0;
	vm2 =	veq.s32 v37, v26  }
0x85: {  	v37 =	vshra.s32 v31, $0x7;
	vm1 =	vmor vm3, vm1;
	vm3 =	veq.s32 v36, v27  }
0x86: {  	vm2 =	vmand vm2, vm9;
	v36 =	vperm.xlane v28, v6;
	vm3 =	vmand vm3, vm9  }
0x87: {  	vm0 =	vmor vm2, vm0;
	vm2 =	vmand vm15, vm10;
	vm15 =	veq.s32 v47, v26  }
0x88: {  	vm1 =	vmor vm3, vm1;
	vm0 =	vmor vm2, vm0;
	vm2 =	veq.s32 v38, v27  }
0x89: {  	vm3 =	veq.s32 v41, v26;
	v38 =	vshra.s32 v35, $0x7;
	vm2 =	vmand vm2, vm10  }
0x8a: {  	vm1 =	vmor vm2, vm1;
	vm2 =	vmand vm3, vm11;
	vm3 =	veq.s32 v40, v27  }
0x8b: {  	v39 =	vshra.s32 v36, $0x7;
	vm0 =	vmor vm2, vm0;
	vm2 =	vmand vm3, vm11  }
0x8c: {  	v41 =	vperm.xlane v28, v9;
	vm1 =	vmor vm2, vm1;
	vm2 =	veq.s32 v43, v26  }
0x8d: {  	v40 =	vperm.xlane v28, v8;
	vm3 =	veq.s32 v42, v27;
	vm2 =	vmand vm2, vm12  }
0x8e: {  	v51 =	vshra.s32 v41, $0x7;
	vm0 =	vmor vm2, vm0;
	vm2 =	vmand vm3, vm12  }
0x8f: {  	v50 =	vshra.s32 v40, $0x7;
	vm1 =	vmor vm2, vm1;
	vm2 =	veq.s32 v46, v26  }
0x90: {  	v43 =	vperm.xlane v28, v10;
	vm3 =	veq.s32 v44, v27;
	vm2 =	vmand vm2, vm13  }
0x91: {  	vm0 =	vmor vm2, vm0;
	vm2 =	vmand vm3, vm13;
	vm3 =	vmand vm15, vm14  }
0x92: {  	v52 =	vshra.s32 v43, $0x7;
	vm0 =	vmor vm3, vm0;
	vm3 =	veq.s32 v45, v27  }
0x93: {  	vm1 =	vmor vm2, vm1;
	v30 =	vsel vm0, $0x1, v18;
	vm0 =	vmand vm3, vm14  }
0x94: {  	vm15 =	veq.s32 v48, v26;
	vm2 =	veq.s32 v50, v26;
	vm0 =	vmor vm0, vm1  }
0x95: {  	v33 =	vsel vm0, $0x1, v18;
	vm0 =	veq.s32 v34, v26;
	v34 =	vperm.xlane v28, v7  }
0x96: {  	v45 =	vnsel vm2, $0x0, v1;
	vm2 =	veq.s32 v41, v27;
	vm1 =	veq.s32 v39, v26  }
0x97: {  	v47 =	vnsel vm2, $0x0, v1;
	vm2 =	veq.s32 v43, v27;
	v49 =	vshra.s32 v34, $0x7  }
0x98: {  	v42 =	vnsel vm1, $0x0, v1;
	vm1 =	veq.s32 v49, v26;
	v49 =	vnsel vm2, $0x0, v1  }
0x99: {  	vm2 =	veq.s32 v53, v27;
	v44 =	vnsel vm1, $0x0, v1;
	vm1 =	veq.s32 v51, v26  }
0x9a: {  	v51 =	vnsel vm2, $0x0, v1;
	v46 =	vnsel vm1, $0x0, v1;
	vm1 =	veq.s32 v52, v26  }
0x9b: {  	vm2 =	veq.s32 v55, v27;
	v48 =	vnsel vm1, $0x0, v1;
	vm1 =	veq.s32 v54, v26  }
0x9c: {  	v53 =	vnsel vm2, $0x0, v1;
	v50 =	vnsel vm1, $0x0, v1;
	vm1 =	veq.s32 v56, v26  }
0x9d: {  	vm2 =	veq.s32 v57, v27;
	v52 =	vnsel vm1, $0x0, v1;
	vm1 =	veq.s32 v58, v26  }
0x9e: {  	v55 =	vnsel vm2, $0x0, v1;
	v54 =	vnsel vm1, $0x0, v1;
	vm1 =	veq.s32 v60, v26  }
0x9f: {  	vm2 =	veq.s32 v38, v26;
	v39 =	vnsel vm1, $0x0, v1;
	vm1 =	veq.s32 v59, v27  }
0xa0: {  	vm0 =	vmor vm2, vm0;
	v63 =	vnsel vm1, $0x0, v1;
	vm1 =	veq.s32 v62, v26  }
0xa1: {  	vm0 =	vmor vm0, vm15;
	v43 =	vnsel vm1, $0x0, v1;
	vm1 =	veq.s32 v37, v26  }
0xa2: {  	vm3 =	veq.s32 v40, v27;
	vm2 =	veq.s32 v34, v27;
	vm0 =	vmor vm0, vm1  }
0xa3: {  	vm1 =	vmor vm3, vm2;
	vm2 =	veq.s32 v36, v27;
	v37 =	vnsel vm0, $0x0, v1  }
0xa4: {  	vm0 =	veq.s32 v35, v27;
	vm1 =	vmor vm1, vm2;
	vm2 =	veq.s32 v32, v27  }
0xa5: {  	vm0 =	vmor vm1, vm0;
	vm1 =	veq.s32 v61, v27;
	v30 =	vor.u32 v30, v37  }
0xa6: {  	v40 =	vnsel vm1, $0x0, v1;
	vm0 =	vmor vm0, vm2;
	vm1 =	veq.s32 v29, v27  }
0xa7: {  	v41 =	vor.u32 v42, v30;
	v42 =	vperm.xlane v28, v16;
	v28 =	vperm.xlane v28, v17  }
0xa8: {  	vm0 =	vmor vm0, vm1;
	vm1 =	veq.s32 v31, v27;
	v29 =	vor.u32 v44, v41  }
0xa9: {  	vm0 =	vmor vm0, vm1;
	v44 =	vshra.s32 v42, $0x7;
	v29 =	vor.u32 v45, v29  }
0xaa: {  	v58 =	vshra.s32 v28, $0x7;
	v45 =	vnsel vm0, $0x0, v1;
	v29 =	vor.u32 v46, v29  }
0xab: {  	vm0 =	veq.s32 v44, v26;
	v29 =	vor.u32 v48, v29;
	v33 =	vor.u32 v33, v45  }
0xac: {  	v31 =	vnsel vm0, $0x0, v1;
	v29 =	vor.u32 v50, v29;
	v56 =	vor.u32 v47, v33  }
0xad: {  	vm0 =	veq.s32 v42, v27;
	v29 =	vor.u32 v52, v29;
	v30 =	vor.u32 v49, v56  }
0xae: {  	v62 =	vld [tilespmem:$0x40];
	v57 =	vnsel vm0, $0x0, v1;
	v29 =	vor.u32 v54, v29;
	v30 =	vor.u32 v51, v30  }
0xaf: {  	vm0 =	veq.s32 v58, v26;
	v29 =	vor.u32 v39, v29;
	v30 =	vor.u32 v53, v30  }
0xb0: {  	[tilespmem:$0xC0] =	vst v21;
	v26 =	vcvt.s32.f32 v26;
	v29 =	vor.u32 v43, v29;
	v30 =	vor.u32 v55, v30  }
0xb1: {  	[tilespmem:$0xD0] =	vst v20;
	v34 =	vnsel vm0, $0x0, v1;
	v29 =	vor.u32 v31, v29;
	v30 =	vor.u32 v63, v30;
	v63 =	vld [tilespmem:$0x50]  }
0xb2: {  	[tilespmem:$0xB0] =	vst v24;
	vm0 =	veq.s32 v28, v27;
	v29 =	vor.u32 v34, v29;
	v59 =	vor.u32 v40, v30  }
0xb3: {  	[tilespmem:$0xE0] =	vst v62;
	v28 =	vnsel vm0, $0x0, v1;
	v27 =	vor.u32 v57, v59;
	vm0 =	veq.s32 v29, $0x0  }
0xb4: {  	[tilespmem:$0x80] =	vst v26;
	v27 =	vor.u32 v28, v27;
	v60 =	vsel vm0, $0x3F800000, v2  }
0xb5: {  	vm0 =	veq.s32 v27, $0x0;
	[tilespmem:$0x90] =	vst v60  }
0xb6: {  	v61 =	vsel vm0, $0x3F800000, v2;
	[tilespmem:$0xF0] =	vst v63  }
0xb7: {  	[tilespmem:$0xA0] =	vst v61  }
0xb8: {  	[hbm4b:s7+s2] =	stream.linear.scatter [tilespmem:s23], [sflag:$0x2], $0x10, $0x38;
	[tilespmem:$0x100] =	vst v63  }
0xb9: {  	_ = 	snop  }
0xba: {  	[hbm4b:s8+s2] =	stream.linear.scatter [tilespmem:s24], [sflag:$0x2], $0x10, $0x38;
	[tilespmem:$0x100] =	vst v63  }
0xbb: {  	_ = 	snop  }
0xbc: {  	[hbm4b:s9+s2] =	stream.linear.scatter [tilespmem:s25], [sflag:$0x2], $0x10, $0x38;
	[tilespmem:$0x100] =	vst v63  }
0xbd: {  	_ = 	snop  }
0xbe: {  	[hbm4b:s10+s2] =	stream.linear.scatter [tilespmem:s26], [sflag:$0x2], $0x10, $0x38;
	[tilespmem:$0x100] =	vst v63  }
0xbf: {  	_ = 	snop  }
0xc0: {  	[hbm4b:s11+s2] =	stream.linear.scatter [tilespmem:s28], [sflag:$0x2], $0x10, $0x38;
	[tilespmem:$0x100] =	vst v63  }
0xc1: {  	_ = 	snop  }
0xc2: {  	[hbm4b:s12+s2] =	stream.linear.scatter [tilespmem:s29], [sflag:$0x2], $0x10, $0x38;
	[tilespmem:$0x100] =	vst v63  }
0xc3: {  	_ = 	snop  }
0xc4: {  	[hbm4b:s13+s2] =	stream.linear.scatter [tilespmem:s30], [sflag:$0x2], $0x10, $0x38;
	[tilespmem:$0x100] =	vst v63  }
0xc5: {  	_ = 	snop  }
0xc6: {  	[hbm4b:s14+s2] =	stream.linear.scatter [tilespmem:s31], [sflag:$0x2], $0x10, $0x38;
	[tilespmem:$0x100] =	vst v63  }
0xc7: {  	_ =	swait.ge [sflag:s1], $0x10  }
0xc8: {  	[sflag:s1] =	ssyncset.done $0x0  }
0xc9: {  	[sflag:s1] =	ssyncadd.s32 $0xFFFFFFF0  }
0xca: {  	_ =	swait.ge [sflag:s1], $0x10  }
0xcb: {  	[sflag:s1] =	ssyncset.done $0x0  }
0xcc: {  	[sflag:s1] =	ssyncadd.s32 $0xFFFFFFF0  }
0xcd: {  	_ =	swait.ge [sflag:s1], $0x10  }
0xce: {  	[sflag:s1] =	ssyncset.done $0x0  }
0xcf: {  	[sflag:s1] =	ssyncadd.s32 $0xFFFFFFF0  }
0xd0: {  	_ =	swait.ge [sflag:s1], $0x10  }
0xd1: {  	[sflag:s1] =	ssyncset.done $0x0  }
0xd2: {  	[sflag:s1] =	ssyncadd.s32 $0xFFFFFFF0  }
0xd3: {  	_ =	swait.ge [sflag:s1], $0x10  }
0xd4: {  	[sflag:s1] =	ssyncset.done $0x0  }
0xd5: {  	[sflag:s1] =	ssyncadd.s32 $0xFFFFFFF0  }
0xd6: {  	_ =	swait.ge [sflag:s1], $0x10  }
0xd7: {  	[sflag:s1] =	ssyncset.done $0x0  }
0xd8: {  	[sflag:s1] =	ssyncadd.s32 $0xFFFFFFF0  }
0xd9: {  	p1 =	sne.s32 s15, $0x1;
	_ =	swait.ge [sflag:s1], $0x10  }
.Ltmp0:
0xda: {  	[sflag:s1] =	ssyncset.done $0x0;
	(pc) =	sbr.rel @p1 .LBB2_1-.Ltmp0, $4  }
0xdb: {  	[sflag:s1] =	ssyncadd.s32 $0xFFFFFFF0  }
0xdc: {  	_ =	swait.ge [sflag:s1], $0x10  }
0xdd: {  	[sflag:s1] =	ssyncset.done $0x0  }
0xde: {  	s15 =	sadd.s32 $0xFFFFFFFF, s15;
	[sflag:s1] =	ssyncadd.s32 $0xFFFFFFF0  }
0xdf: {  	_ =	sfence.sel $0x180000  }
0xe0: {  	[bflag:$0x0] =	sbarrier.arrive $0xFFFF  }
0xe1: {  	_ =	strace $0x90000047  }
0xe2: {  	s0 =	stileid.u32;
	[bflag:$0x2] =	sbarrier.arrive $0xFFFF  }
0xe3: {  	p0 =	sne.s32 s0, $0x0;
	s0 =	rddreg [dreg:$0x1]  }
0xe4: {  	s0 =	sadd.s32 @!p0 $0x100000, s0  }
0xe5: {  	[sflag:s0] =	ssyncadd.tile.s32 @!p0 $0x1;
	_ =	shalt  }
.Lfunc_end2:
_tile_overlayer_lowered:
.L_overlay_start_2:
0xe6: {  	(tag) =	ssettag $0x2  }
0xe7: {  	s0 =	rddreg [dreg:$0x0];
	s2 =	stileid.u32  }
0xe8: {  	s1 =	rddreg [dreg:$0x1];
	p0 =	sne.s32 s2, $0x0  }
0xe9: {  	s3 =	rddreg [dreg:$0x2];
	[bflag:$0x3] =	sbarrier.arrive $0xFFFF;
	s2 =	simm.s32 @!p0 $0x1C03  }
0xea: {  	[timem:s3], [sflag:s2] =	dma.local @!p0 [hbm:s0], s1  }
0xeb: {  	s0 =	simm.s32 @!p0 $0x3  }
0xec: {  	_ =	swait.ge @!p0 [sflag:s0], s1  }
0xed: {  	s1 =	ssub.s32 @!p0 $0x0, s1;
	[sflag:s0] =	ssyncset.done @!p0 $0x0  }
0xee: {  	[sflag:s0] =	ssyncadd.s32 @!p0 s1  }
0xef: {  	[bflag:$0x3] =	sbarrier.arrive $0xFFFF  }
0xf0: {  	_ =	shalt  }

</sc_bundles>
